<compile_context>
chip_gen: v7x
topology: tpu7x:2x2x1
jax: 0.10.2.dev20260603
libtpu: 0.0.44.dev20260713+nightly
codegen_flags: <defaults>
</compile_context>

<pallas_src>
import functools

import jax
import jax.numpy as jnp
from jax import lax
from jax.experimental import pallas as pl
from jax.experimental.pallas import tpu as pltpu
from jax.experimental.pallas import tpu_sc as plsc

N = 10000
E = 320000
D = 128

NC = 2
NS = 16
NW = NC * NS
C = 128
CHUNKS = 2 * (-(-E // (NW * C * 2)))
PAIRS = CHUNKS // 2
E_PAD = NW * C * CHUNKS
NP = 10240
RPT = NP // NS


def _sc_aggregate(z_hbm, src_hbm, dst_hbm, zeros_hbm, zeros_np_hbm,
                  ones_c_hbm, agg_out, deg_out, src_blk, dst0, dst1,
                  rows0, rows1, deg_v, ones_v, si0, si1, sg0, sg1, ss0,
                  ss1, sd0, sd1, agg_sh, deg_sh, *, compute_deg):
    cid = lax.axis_index("c")
    sid = lax.axis_index("s")
    wid = cid * NS + sid
    dst_idx = [dst0, dst1]
    rows = [rows0, rows1]
    sem_i = [si0, si1]
    sem_g = [sg0, sg1]
    sem_s = [ss0, ss1]
    sem_d = [sd0, sd1]

    pltpu.sync_copy(zeros_hbm, rows0)
    zd = [pltpu.async_copy(
        rows0, agg_sh.at[pl.ds((sid * (RPT // C) + k) * C, C)], ss0)
        for k in range(RPT // C)]
    for dd in zd:
        dd.wait()
    if compute_deg:
        pltpu.sync_copy(zeros_np_hbm.at[pl.ds(sid * RPT, RPT)], deg_v)
        pltpu.sync_copy(deg_v, deg_sh.at[pl.ds(sid * RPT, RPT)])
        pltpu.sync_copy(ones_c_hbm, ones_v)
    plsc.subcore_barrier()

    base_w = wid * (CHUNKS * C)
    pltpu.sync_copy(src_hbm.at[pl.ds(base_w, (CHUNKS + 1) * C)], src_blk)

    def issue(chunk, b):
        pltpu.async_copy(dst_hbm.at[pl.ds(base_w + chunk * C, C)],
                         dst_idx[b], sem_i[b])
        pltpu.async_copy(z_hbm.at[src_blk.at[pl.ds(chunk * C, C)]],
                         rows[b], sem_g[b])

    def scatter(b):
        s = pltpu.async_copy(rows[b], agg_sh.at[dst_idx[b]], sem_s[b],
                             add=True)
        d = None
        if compute_deg:
            d = pltpu.async_copy(ones_v, deg_sh.at[dst_idx[b]], sem_d[b],
                                 add=True)
        return s, d

    def drain_idx(b):
        pltpu.make_async_copy(src_hbm.at[pl.ds(0, C)], dst_idx[b],
                              sem_i[b]).wait()

    def drain_rows(b, sem):
        pltpu.make_async_copy(zeros_hbm, rows[b], sem).wait()

    def drain_deg(b):
        if compute_deg:
            pltpu.make_async_copy(ones_c_hbm, ones_v, sem_d[b]).wait()

    issue(0, 0)
    drain_idx(0)
    drain_rows(0, sem_g[0])
    issue(1, 1)
    s0, d0 = scatter(0)
    drain_idx(1)
    drain_rows(1, sem_g[1])
    s0.wait()
    if compute_deg:
        d0.wait()
    issue(2, 0)
    scatter(1)

    def body(p, carry):
        drain_idx(0)
        drain_rows(0, sem_g[0])
        scatter(0)
        drain_rows(1, sem_s[1])
        drain_deg(1)
        issue(2 * p + 1, 1)
        drain_idx(1)
        drain_rows(1, sem_g[1])
        drain_rows(0, sem_s[0])
        drain_deg(0)
        issue(2 * p + 2, 0)
        scatter(1)
        return carry

    lax.fori_loop(1, PAIRS, body, 0)
    drain_idx(0)
    drain_rows(0, sem_g[0])
    drain_rows(1, sem_s[1])
    drain_deg(1)
    plsc.subcore_barrier()

    outd = [None, None]
    for k in range(RPT // C):
        b = k % 2
        if outd[b] is not None:
            outd[b].wait()
        r = (sid * (RPT // C) + k) * C
        pltpu.async_copy(agg_sh.at[pl.ds(r, C)], rows[b], sem_g[b]).wait()
        outd[b] = pltpu.async_copy(rows[b], agg_out.at[cid, pl.ds(r, C)],
                                   sem_s[b])
    for dd in outd:
        if dd is not None:
            dd.wait()
    if compute_deg:
        pltpu.sync_copy(deg_sh.at[pl.ds(sid * RPT, RPT)], deg_v)
        pltpu.sync_copy(deg_v, deg_out.at[cid, pl.ds(sid * RPT, RPT)])


@functools.lru_cache(maxsize=None)
def _make_sc_pass(compute_deg):
    mesh = plsc.VectorSubcoreMesh(core_axis_name="c", subcore_axis_name="s",
                                  num_cores=NC, num_subcores=NS)
    out_type = [jax.ShapeDtypeStruct((NC, NP, D), jnp.float32)]
    scratch = [
        pltpu.VMEM(((CHUNKS + 1) * C,), jnp.int32),
        pltpu.VMEM((C,), jnp.int32),
        pltpu.VMEM((C,), jnp.int32),
        pltpu.VMEM((C, D), jnp.float32),
        pltpu.VMEM((C, D), jnp.float32),
        pltpu.VMEM((RPT,), jnp.float32),
        pltpu.VMEM((C,), jnp.float32),
        pltpu.SemaphoreType.DMA,
        pltpu.SemaphoreType.DMA,
        pltpu.SemaphoreType.DMA,
        pltpu.SemaphoreType.DMA,
        pltpu.SemaphoreType.DMA,
        pltpu.SemaphoreType.DMA,
        pltpu.SemaphoreType.DMA,
        pltpu.SemaphoreType.DMA,
        pltpu.VMEM_SHARED((NP, D), jnp.float32),
        pltpu.VMEM_SHARED((NP,), jnp.float32),
    ]
    if compute_deg:
        out_type.append(jax.ShapeDtypeStruct((NC, NP), jnp.float32))
        body = functools.partial(_sc_aggregate, compute_deg=True)
    else:
        def body(z, s, d, z0, znp, o1, agg_out, *rest):
            _sc_aggregate(z, s, d, z0, znp, o1, agg_out, None, *rest,
                          compute_deg=False)
    return pl.kernel(body, out_type=out_type, mesh=mesh,
                     scratch_types=scratch)


def _tc_layer_body(agg_ref, deg_ref, z_ref, wl_ref, wr_ref, b_ref, out_ref):
    a = agg_ref[0] + agg_ref[1]
    dg = deg_ref[0] + deg_ref[1]
    inv = 1.0 / jnp.maximum(dg, 1.0)
    mean = a * inv[:, None]
    out = (jnp.dot(mean, wl_ref[...], preferred_element_type=jnp.float32)
           + jnp.dot(z_ref[...], wr_ref[...],
                     preferred_element_type=jnp.float32)
           + b_ref[...])
    out_ref[...] = jnp.maximum(out, 0.0)


BR = 2048


def _tc_layer(agg, deg, z, W_l, W_r, b):
    grid = (NP // BR,)
    return pl.pallas_call(
        _tc_layer_body,
        grid=grid,
        in_specs=[
            pl.BlockSpec((NC, BR, D), lambda i: (0, i, 0)),
            pl.BlockSpec((NC, BR), lambda i: (0, i)),
            pl.BlockSpec((BR, D), lambda i: (i, 0)),
            pl.BlockSpec((D, D), lambda i: (0, 0)),
            pl.BlockSpec((D, D), lambda i: (0, 0)),
            pl.BlockSpec((1, D), lambda i: (0, 0)),
        ],
        out_specs=pl.BlockSpec((BR, D), lambda i: (i, 0)),
        out_shape=jax.ShapeDtypeStruct((NP, D), jnp.float32),
    )(agg, deg, z, W_l, W_r, b)


@jax.jit
def kernel(x, edge_index, W_l1, b_l1, W_r1, W_l2, b_l2, W_r2):
    src = edge_index[0].astype(jnp.int32)
    dst = edge_index[1].astype(jnp.int32)
    src_p = jnp.concatenate(
        [src, jnp.zeros((E_PAD + C - E,), jnp.int32)])
    dst_p = jnp.concatenate(
        [dst, jnp.full((E_PAD + C - E,), N, jnp.int32)])
    x_p = jnp.pad(x, ((0, NP - N), (0, 0)))
    zeros = jnp.zeros((C, D), jnp.float32)
    zeros_np = jnp.zeros((NP,), jnp.float32)
    ones_c = jnp.ones((C,), jnp.float32)

    agg1, deg = _make_sc_pass(True)(x_p, src_p, dst_p, zeros, zeros_np,
                                    ones_c)
    h1 = _tc_layer(agg1, deg, x_p, W_l1, W_r1, b_l1.reshape(1, D))
    (agg2,) = _make_sc_pass(False)(h1, src_p, dst_p, zeros, zeros_np, ones_c)
    h2 = _tc_layer(agg2, deg, h1, W_l2, W_r2, b_l2.reshape(1, D))
    return h2[:N]

# --- scband reference (transcript-rebuilt; emitter-appended) ---
"""Pipeline reference for scband-encoder-27169963114977 (READ-ONLY COPY).

The authoritative reference and input builder live on the scoring server;
editing this copy changes nothing except your own understanding.
"""

import jax, jax.numpy as jnp
import numpy as np

N = 10000
E = 320000
D = 128
H = 128


def setup_inputs(seed: int = 0) -> dict:
    key = jax.random.key(seed)
    ks = jax.random.split(key, 8)
    x = jax.random.normal(ks[0], (N, D), dtype=jnp.float32)
    edge_index = jax.random.randint(ks[1], (2, E), 0, N)
    # layer 1 params (MySAGEConv: lin_l with bias, lin_r without bias)
    W_l1 = jax.random.normal(ks[2], (D, H), dtype=jnp.float32) * 0.05
    b_l1 = jnp.zeros((H,), dtype=jnp.float32)
    W_r1 = jax.random.normal(ks[3], (D, H), dtype=jnp.float32) * 0.05
    # layer 2 params
    W_l2 = jax.random.normal(ks[4], (H, H), dtype=jnp.float32) * 0.05
    b_l2 = jnp.zeros((H,), dtype=jnp.float32)
    W_r2 = jax.random.normal(ks[5], (H, H), dtype=jnp.float32) * 0.05
    return {
        "x": x,
        "edge_index": edge_index,
        "W_l1": W_l1,
        "b_l1": b_l1,
        "W_r1": W_r1,
        "W_l2": W_l2,
        "b_l2": b_l2,
        "W_r2": W_r2,
    }


def _sage_layer(z, src, dst, W_l, b_l, W_r):
    # message: x_j = z[src] (no edge_attr)
    msg = jnp.take(z, src, axis=0)
    # aggregate: mean over incoming edges at dst
    agg = jax.ops.segment_sum(msg, dst, num_segments=N)
    deg = jax.ops.segment_sum(jnp.ones((msg.shape[0],), dtype=z.dtype), dst, num_segments=N)
    mean = agg / jnp.clip(deg, 1.0)[:, None]
    # out = lin_l(aggr) + lin_r(x_root)
    out = mean @ W_l + b_l + z @ W_r
    return out


def reference(x, edge_index, W_l1, b_l1, W_r1, W_l2, b_l2, W_r2):
    src = edge_index[0]
    dst = edge_index[1]
    # Encoder.encode: conv -> activation (act_first=True), normalize='none', dropout=0.0
    z = _sage_layer(x, src, dst, W_l1, b_l1, W_r1)
    z = jax.nn.relu(z)
    z = _sage_layer(z, src, dst, W_l2, b_l2, W_r2)
    z = jax.nn.relu(z)
    return z

if __name__ == "__main__":
    import jax
    _d = setup_inputs()
    print(jax.jit(kernel)(*tuple(_d.values())))

</pallas_src>

<mosaic_0001>
#map = affine_map<(d0, d1) -> (0, 0)>
#map1 = affine_map<(d0, d1) -> (0)>
#map2 = affine_map<(d0, d1) -> (0, 0, 0)>
module attributes {stable_mosaic.version = 14 : i64} {
  func.func @body(%arg0: i32, %arg1: i32, %arg2: memref<10240x128xf32, #tpu.memory_space<hbm>>, %arg3: memref<327808xi32, #tpu.memory_space<hbm>>, %arg4: memref<327808xi32, #tpu.memory_space<hbm>>, %arg5: memref<128x128xf32, #tpu.memory_space<hbm>>, %arg6: memref<10240xf32, #tpu.memory_space<hbm>>, %arg7: memref<128xf32, #tpu.memory_space<hbm>>, %arg8: memref<2x10240x128xf32, #tpu.memory_space<hbm>>, %arg9: memref<10368xi32, #tpu.memory_space<vmem>>, %arg10: memref<128xi32, #tpu.memory_space<vmem>>, %arg11: memref<128xi32, #tpu.memory_space<vmem>>, %arg12: memref<128x128xf32, #tpu.memory_space<vmem>>, %arg13: memref<128x128xf32, #tpu.memory_space<vmem>>, %arg14: memref<640xf32, #tpu.memory_space<vmem>>, %arg15: memref<128xf32, #tpu.memory_space<vmem>>, %arg16: memref<!tpu.dma_semaphore, #tpu.memory_space<semaphore_mem>>, %arg17: memref<!tpu.dma_semaphore, #tpu.memory_space<semaphore_mem>>, %arg18: memref<!tpu.dma_semaphore, #tpu.memory_space<semaphore_mem>>, %arg19: memref<!tpu.dma_semaphore, #tpu.memory_space<semaphore_mem>>, %arg20: memref<!tpu.dma_semaphore, #tpu.memory_space<semaphore_mem>>, %arg21: memref<!tpu.dma_semaphore, #tpu.memory_space<semaphore_mem>>, %arg22: memref<!tpu.dma_semaphore, #tpu.memory_space<semaphore_mem>>, %arg23: memref<!tpu.dma_semaphore, #tpu.memory_space<semaphore_mem>>, %arg24: memref<10240x128xf32, #tpu.memory_space<vmem_shared>>, %arg25: memref<10240xf32, #tpu.memory_space<vmem_shared>>) attributes {dimension_semantics = [#tpu.dimension_semantics<core_parallel>, #tpu.dimension_semantics<subcore_parallel>], iteration_bounds = array<i64: 2, 16>, scalar_prefetch = 0 : i64, scratch_operands = 17 : i64, tpu.core_type = #tpu.core_type<sc_vector_subcore>, window_params = [{transform_indices = #map}, {transform_indices = #map1}, {transform_indices = #map1}, {transform_indices = #map}, {transform_indices = #map1}, {transform_indices = #map1}, {transform_indices = #map2}]} {
    %mul3A = arith.constant 16 : i32
    %mul3A_0 = arith.muli %arg0, %mul3A : i32
    %add3A = arith.addi %mul3A_0, %arg1 : i32
    "tpu.region"() ({
      %run_scoped3A = tpu.sem_alloc : memref<!tpu.dma_semaphore, #tpu.memory_space<semaphore_mem>>
      tpu.enqueue_dma source(%arg5 : memref<128x128xf32, #tpu.memory_space<hbm>>) target(%arg12 : memref<128x128xf32, #tpu.memory_space<vmem>>) target_semaphore(%run_scoped3A : memref<!tpu.dma_semaphore, #tpu.memory_space<semaphore_mem>>)
      tpu.wait_dma2 semaphore(%run_scoped3A : memref<!tpu.dma_semaphore, #tpu.memory_space<semaphore_mem>>) src(%arg5 : memref<128x128xf32, #tpu.memory_space<hbm>>) dst(%arg12 : memref<128x128xf32, #tpu.memory_space<vmem>>)
      tpu.yield
    }) : () -> ()
    %mul3A_1 = arith.constant 5 : i32
    %mul3A_2 = arith.muli %arg1, %mul3A_1 : i32
    %add3A_3 = arith.constant 0 : i32
    %add3A_4 = arith.addi %mul3A_2, %add3A_3 : i32
    %mul3A_5 = arith.constant 128 : i32
    %mul3A_6 = arith.muli %add3A_4, %mul3A_5 : i32
    %dma_start3A = arith.constant 0 : i32
    %dma_start3A_7 = tpu.memref_slice %arg24[%mul3A_6, %dma_start3A] : memref<10240x128xf32, #tpu.memory_space<vmem_shared>> -> memref<128x128xf32, #tpu.memory_space<vmem_shared>>
    %dma_start3A_8 = arith.constant 0 : i32
    %dma_start3A_9 = tpu.memref_slice %arg24[%mul3A_6, %dma_start3A_8] : memref<10240x128xf32, #tpu.memory_space<vmem_shared>> -> memref<128x128xf32, #tpu.memory_space<vmem_shared>>
    tpu.enqueue_dma source(%arg12 : memref<128x128xf32, #tpu.memory_space<vmem>>) target(%dma_start3A_9 : memref<128x128xf32, #tpu.memory_space<vmem_shared>>) target_semaphore(%arg20 : memref<!tpu.dma_semaphore, #tpu.memory_space<semaphore_mem>>)
    %mul3A_10 = arith.constant 5 : i32
    %mul3A_11 = arith.muli %arg1, %mul3A_10 : i32
    %add3A_12 = arith.constant 1 : i32
    %add3A_13 = arith.addi %mul3A_11, %add3A_12 : i32
    %mul3A_14 = arith.constant 128 : i32
    %mul3A_15 = arith.muli %add3A_13, %mul3A_14 : i32
    %dma_start3A_16 = arith.constant 0 : i32
    %dma_start3A_17 = tpu.memref_slice %arg24[%mul3A_15, %dma_start3A_16] : memref<10240x128xf32, #tpu.memory_space<vmem_shared>> -> memref<128x128xf32, #tpu.memory_space<vmem_shared>>
    %dma_start3A_18 = arith.constant 0 : i32
    %dma_start3A_19 = tpu.memref_slice %arg24[%mul3A_15, %dma_start3A_18] : memref<10240x128xf32, #tpu.memory_space<vmem_shared>> -> memref<128x128xf32, #tpu.memory_space<vmem_shared>>
    tpu.enqueue_dma source(%arg12 : memref<128x128xf32, #tpu.memory_space<vmem>>) target(%dma_start3A_19 : memref<128x128xf32, #tpu.memory_space<vmem_shared>>) target_semaphore(%arg20 : memref<!tpu.dma_semaphore, #tpu.memory_space<semaphore_mem>>)
    %mul3A_20 = arith.constant 5 : i32
    %mul3A_21 = arith.muli %arg1, %mul3A_20 : i32
    %add3A_22 = arith.constant 2 : i32
    %add3A_23 = arith.addi %mul3A_21, %add3A_22 : i32
    %mul3A_24 = arith.constant 128 : i32
    %mul3A_25 = arith.muli %add3A_23, %mul3A_24 : i32
    %dma_start3A_26 = arith.constant 0 : i32
    %dma_start3A_27 = tpu.memref_slice %arg24[%mul3A_25, %dma_start3A_26] : memref<10240x128xf32, #tpu.memory_space<vmem_shared>> -> memref<128x128xf32, #tpu.memory_space<vmem_shared>>
    %dma_start3A_28 = arith.constant 0 : i32
    %dma_start3A_29 = tpu.memref_slice %arg24[%mul3A_25, %dma_start3A_28] : memref<10240x128xf32, #tpu.memory_space<vmem_shared>> -> memref<128x128xf32, #tpu.memory_space<vmem_shared>>
    tpu.enqueue_dma source(%arg12 : memref<128x128xf32, #tpu.memory_space<vmem>>) target(%dma_start3A_29 : memref<128x128xf32, #tpu.memory_space<vmem_shared>>) target_semaphore(%arg20 : memref<!tpu.dma_semaphore, #tpu.memory_space<semaphore_mem>>)
    %mul3A_30 = arith.constant 5 : i32
    %mul3A_31 = arith.muli %arg1, %mul3A_30 : i32
    %add3A_32 = arith.constant 3 : i32
    %add3A_33 = arith.addi %mul3A_31, %add3A_32 : i32
    %mul3A_34 = arith.constant 128 : i32
    %mul3A_35 = arith.muli %add3A_33, %mul3A_34 : i32
    %dma_start3A_36 = arith.constant 0 : i32
    %dma_start3A_37 = tpu.memref_slice %arg24[%mul3A_35, %dma_start3A_36] : memref<10240x128xf32, #tpu.memory_space<vmem_shared>> -> memref<128x128xf32, #tpu.memory_space<vmem_shared>>
    %dma_start3A_38 = arith.constant 0 : i32
    %dma_start3A_39 = tpu.memref_slice %arg24[%mul3A_35, %dma_start3A_38] : memref<10240x128xf32, #tpu.memory_space<vmem_shared>> -> memref<128x128xf32, #tpu.memory_space<vmem_shared>>
    tpu.enqueue_dma source(%arg12 : memref<128x128xf32, #tpu.memory_space<vmem>>) target(%dma_start3A_39 : memref<128x128xf32, #tpu.memory_space<vmem_shared>>) target_semaphore(%arg20 : memref<!tpu.dma_semaphore, #tpu.memory_space<semaphore_mem>>)
    %mul3A_40 = arith.constant 5 : i32
    %mul3A_41 = arith.muli %arg1, %mul3A_40 : i32
    %add3A_42 = arith.constant 4 : i32
    %add3A_43 = arith.addi %mul3A_41, %add3A_42 : i32
    %mul3A_44 = arith.constant 128 : i32
    %mul3A_45 = arith.muli %add3A_43, %mul3A_44 : i32
    %dma_start3A_46 = arith.constant 0 : i32
    %dma_start3A_47 = tpu.memref_slice %arg24[%mul3A_45, %dma_start3A_46] : memref<10240x128xf32, #tpu.memory_space<vmem_shared>> -> memref<128x128xf32, #tpu.memory_space<vmem_shared>>
    %dma_start3A_48 = arith.constant 0 : i32
    %dma_start3A_49 = tpu.memref_slice %arg24[%mul3A_45, %dma_start3A_48] : memref<10240x128xf32, #tpu.memory_space<vmem_shared>> -> memref<128x128xf32, #tpu.memory_space<vmem_shared>>
    tpu.enqueue_dma source(%arg12 : memref<128x128xf32, #tpu.memory_space<vmem>>) target(%dma_start3A_49 : memref<128x128xf32, #tpu.memory_space<vmem_shared>>) target_semaphore(%arg20 : memref<!tpu.dma_semaphore, #tpu.memory_space<semaphore_mem>>)
    %dma_wait3A = arith.constant 0 : i32
    %dma_wait3A_50 = tpu.memref_slice %arg24[%mul3A_6, %dma_wait3A] : memref<10240x128xf32, #tpu.memory_space<vmem_shared>> -> memref<128x128xf32, #tpu.memory_space<vmem_shared>>
    %dma_wait3A_51 = arith.constant 0 : i32
    %dma_wait3A_52 = tpu.memref_slice %arg24[%mul3A_6, %dma_wait3A_51] : memref<10240x128xf32, #tpu.memory_space<vmem_shared>> -> memref<128x128xf32, #tpu.memory_space<vmem_shared>>
    tpu.wait_dma2 semaphore(%arg20 : memref<!tpu.dma_semaphore, #tpu.memory_space<semaphore_mem>>) src(%arg12 : memref<128x128xf32, #tpu.memory_space<vmem>>) dst(%dma_wait3A_52 : memref<128x128xf32, #tpu.memory_space<vmem_shared>>)
    %dma_wait3A_53 = arith.constant 0 : i32
    %dma_wait3A_54 = tpu.memref_slice %arg24[%mul3A_15, %dma_wait3A_53] : memref<10240x128xf32, #tpu.memory_space<vmem_shared>> -> memref<128x128xf32, #tpu.memory_space<vmem_shared>>
    %dma_wait3A_55 = arith.constant 0 : i32
    %dma_wait3A_56 = tpu.memref_slice %arg24[%mul3A_15, %dma_wait3A_55] : memref<10240x128xf32, #tpu.memory_space<vmem_shared>> -> memref<128x128xf32, #tpu.memory_space<vmem_shared>>
    tpu.wait_dma2 semaphore(%arg20 : memref<!tpu.dma_semaphore, #tpu.memory_space<semaphore_mem>>) src(%arg12 : memref<128x128xf32, #tpu.memory_space<vmem>>) dst(%dma_wait3A_56 : memref<128x128xf32, #tpu.memory_space<vmem_shared>>)
    %dma_wait3A_57 = arith.constant 0 : i32
    %dma_wait3A_58 = tpu.memref_slice %arg24[%mul3A_25, %dma_wait3A_57] : memref<10240x128xf32, #tpu.memory_space<vmem_shared>> -> memref<128x128xf32, #tpu.memory_space<vmem_shared>>
    %dma_wait3A_59 = arith.constant 0 : i32
    %dma_wait3A_60 = tpu.memref_slice %arg24[%mul3A_25, %dma_wait3A_59] : memref<10240x128xf32, #tpu.memory_space<vmem_shared>> -> memref<128x128xf32, #tpu.memory_space<vmem_shared>>
    tpu.wait_dma2 semaphore(%arg20 : memref<!tpu.dma_semaphore, #tpu.memory_space<semaphore_mem>>) src(%arg12 : memref<128x128xf32, #tpu.memory_space<vmem>>) dst(%dma_wait3A_60 : memref<128x128xf32, #tpu.memory_space<vmem_shared>>)
    %dma_wait3A_61 = arith.constant 0 : i32
    %dma_wait3A_62 = tpu.memref_slice %arg24[%mul3A_35, %dma_wait3A_61] : memref<10240x128xf32, #tpu.memory_space<vmem_shared>> -> memref<128x128xf32, #tpu.memory_space<vmem_shared>>
    %dma_wait3A_63 = arith.constant 0 : i32
    %dma_wait3A_64 = tpu.memref_slice %arg24[%mul3A_35, %dma_wait3A_63] : memref<10240x128xf32, #tpu.memory_space<vmem_shared>> -> memref<128x128xf32, #tpu.memory_space<vmem_shared>>
    tpu.wait_dma2 semaphore(%arg20 : memref<!tpu.dma_semaphore, #tpu.memory_space<semaphore_mem>>) src(%arg12 : memref<128x128xf32, #tpu.memory_space<vmem>>) dst(%dma_wait3A_64 : memref<128x128xf32, #tpu.memory_space<vmem_shared>>)
    %dma_wait3A_65 = arith.constant 0 : i32
    %dma_wait3A_66 = tpu.memref_slice %arg24[%mul3A_45, %dma_wait3A_65] : memref<10240x128xf32, #tpu.memory_space<vmem_shared>> -> memref<128x128xf32, #tpu.memory_space<vmem_shared>>
    %dma_wait3A_67 = arith.constant 0 : i32
    %dma_wait3A_68 = tpu.memref_slice %arg24[%mul3A_45, %dma_wait3A_67] : memref<10240x128xf32, #tpu.memory_space<vmem_shared>> -> memref<128x128xf32, #tpu.memory_space<vmem_shared>>
    tpu.wait_dma2 semaphore(%arg20 : memref<!tpu.dma_semaphore, #tpu.memory_space<semaphore_mem>>) src(%arg12 : memref<128x128xf32, #tpu.memory_space<vmem>>) dst(%dma_wait3A_68 : memref<128x128xf32, #tpu.memory_space<vmem_shared>>)
    %barrier3A = arith.constant 0 : index
    tpu.barrier barrier_id(%barrier3A)
    %mul3A_69 = arith.constant 10240 : i32
    %mul3A_70 = arith.muli %add3A, %mul3A_69 : i32
    "tpu.region"() ({
      %run_scoped3A = tpu.sem_alloc : memref<!tpu.dma_semaphore, #tpu.memory_space<semaphore_mem>>
      %dma_start3A_255 = tpu.memref_slice %arg3[%mul3A_70] : memref<327808xi32, #tpu.memory_space<hbm>> -> memref<10368xi32, #tpu.memory_space<hbm>>
      %dma_start3A_256 = tpu.memref_slice %arg3[%mul3A_70] : memref<327808xi32, #tpu.memory_space<hbm>> -> memref<10368xi32, #tpu.memory_space<hbm>>
      tpu.enqueue_dma source(%dma_start3A_256 : memref<10368xi32, #tpu.memory_space<hbm>>) target(%arg9 : memref<10368xi32, #tpu.memory_space<vmem>>) target_semaphore(%run_scoped3A : memref<!tpu.dma_semaphore, #tpu.memory_space<semaphore_mem>>)
      %dma_wait3A_257 = tpu.memref_slice %arg3[%mul3A_70] : memref<327808xi32, #tpu.memory_space<hbm>> -> memref<10368xi32, #tpu.memory_space<hbm>>
      %dma_wait3A_258 = tpu.memref_slice %arg3[%mul3A_70] : memref<327808xi32, #tpu.memory_space<hbm>> -> memref<10368xi32, #tpu.memory_space<hbm>>
      tpu.wait_dma2 semaphore(%run_scoped3A : memref<!tpu.dma_semaphore, #tpu.memory_space<semaphore_mem>>) src(%dma_wait3A_258 : memref<10368xi32, #tpu.memory_space<hbm>>) dst(%arg9 : memref<10368xi32, #tpu.memory_space<vmem>>)
      tpu.yield
    }) : () -> ()
    %add3A_71 = arith.constant 0 : i32
    %add3A_72 = arith.addi %mul3A_70, %add3A_71 : i32
    %dma_start3A_73 = tpu.memref_slice %arg4[%add3A_72] : memref<327808xi32, #tpu.memory_space<hbm>> -> memref<128xi32, #tpu.memory_space<hbm>>
    %dma_start3A_74 = tpu.memref_slice %arg4[%add3A_72] : memref<327808xi32, #tpu.memory_space<hbm>> -> memref<128xi32, #tpu.memory_space<hbm>>
    tpu.enqueue_dma source(%dma_start3A_74 : memref<128xi32, #tpu.memory_space<hbm>>) target(%arg10 : memref<128xi32, #tpu.memory_space<vmem>>) target_semaphore(%arg16 : memref<!tpu.dma_semaphore, #tpu.memory_space<semaphore_mem>>)
    %dma_start3A_75 = arith.constant 0 : i32
    %dma_start3A_76 = tpu.memref_slice %arg9[%dma_start3A_75] : memref<10368xi32, #tpu.memory_space<vmem>> -> memref<128xi32, #tpu.memory_space<vmem>>
    %dma_start3A_77 = arith.constant 0 : i32
    %dma_start3A_78 = arith.constant 0 : i32
    %dma_start3A_79 = tpu.memref_slice %arg2[%dma_start3A_77, %dma_start3A_78] : memref<10240x128xf32, #tpu.memory_space<hbm>> -> memref<10240x128xf32, #tpu.memory_space<hbm>>
    tpu.enqueue_indirect_dma source(%dma_start3A_79 : memref<10240x128xf32, #tpu.memory_space<hbm>>) target(%arg12 : memref<128x128xf32, #tpu.memory_space<vmem>>) offsets(%dma_start3A_76 : memref<128xi32, #tpu.memory_space<vmem>>) semaphore(%arg18 : memref<!tpu.dma_semaphore, #tpu.memory_space<semaphore_mem>>)
    %dma_wait3A_80 = arith.constant 0 : i32
    %dma_wait3A_81 = tpu.memref_slice %arg3[%dma_wait3A_80] : memref<327808xi32, #tpu.memory_space<hbm>> -> memref<128xi32, #tpu.memory_space<hbm>>
    %dma_wait3A_82 = arith.constant 0 : i32
    %dma_wait3A_83 = tpu.memref_slice %arg3[%dma_wait3A_82] : memref<327808xi32, #tpu.memory_space<hbm>> -> memref<128xi32, #tpu.memory_space<hbm>>
    tpu.wait_dma2 semaphore(%arg16 : memref<!tpu.dma_semaphore, #tpu.memory_space<semaphore_mem>>) src(%dma_wait3A_83 : memref<128xi32, #tpu.memory_space<hbm>>) dst(%arg10 : memref<128xi32, #tpu.memory_space<vmem>>)
    tpu.wait_dma2 semaphore(%arg18 : memref<!tpu.dma_semaphore, #tpu.memory_space<semaphore_mem>>) src(%arg5 : memref<128x128xf32, #tpu.memory_space<hbm>>) dst(%arg12 : memref<128x128xf32, #tpu.memory_space<vmem>>)
    %add3A_84 = arith.constant 128 : i32
    %add3A_85 = arith.addi %mul3A_70, %add3A_84 : i32
    %dma_start3A_86 = tpu.memref_slice %arg4[%add3A_85] : memref<327808xi32, #tpu.memory_space<hbm>> -> memref<128xi32, #tpu.memory_space<hbm>>
    %dma_start3A_87 = tpu.memref_slice %arg4[%add3A_85] : memref<327808xi32, #tpu.memory_space<hbm>> -> memref<128xi32, #tpu.memory_space<hbm>>
    tpu.enqueue_dma source(%dma_start3A_87 : memref<128xi32, #tpu.memory_space<hbm>>) target(%arg11 : memref<128xi32, #tpu.memory_space<vmem>>) target_semaphore(%arg17 : memref<!tpu.dma_semaphore, #tpu.memory_space<semaphore_mem>>)
    %dma_start3A_88 = arith.constant 128 : i32
    %dma_start3A_89 = tpu.memref_slice %arg9[%dma_start3A_88] : memref<10368xi32, #tpu.memory_space<vmem>> -> memref<128xi32, #tpu.memory_space<vmem>>
    %dma_start3A_90 = arith.constant 0 : i32
    %dma_start3A_91 = arith.constant 0 : i32
    %dma_start3A_92 = tpu.memref_slice %arg2[%dma_start3A_90, %dma_start3A_91] : memref<10240x128xf32, #tpu.memory_space<hbm>> -> memref<10240x128xf32, #tpu.memory_space<hbm>>
    tpu.enqueue_indirect_dma source(%dma_start3A_92 : memref<10240x128xf32, #tpu.memory_space<hbm>>) target(%arg13 : memref<128x128xf32, #tpu.memory_space<vmem>>) offsets(%dma_start3A_89 : memref<128xi32, #tpu.memory_space<vmem>>) semaphore(%arg19 : memref<!tpu.dma_semaphore, #tpu.memory_space<semaphore_mem>>)
    %dma_start3A_93 = arith.constant 0 : i32
    %dma_start3A_94 = arith.constant 0 : i32
    %dma_start3A_95 = tpu.memref_slice %arg24[%dma_start3A_93, %dma_start3A_94] : memref<10240x128xf32, #tpu.memory_space<vmem_shared>> -> memref<10240x128xf32, #tpu.memory_space<vmem_shared>>
    tpu.enqueue_indirect_dma source(%arg12 : memref<128x128xf32, #tpu.memory_space<vmem>>) target(%dma_start3A_95 : memref<10240x128xf32, #tpu.memory_space<vmem_shared>>) offsets(%arg10 : memref<128xi32, #tpu.memory_space<vmem>>) semaphore(%arg20 : memref<!tpu.dma_semaphore, #tpu.memory_space<semaphore_mem>>) {add = true}
    %dma_wait3A_96 = arith.constant 0 : i32
    %dma_wait3A_97 = tpu.memref_slice %arg3[%dma_wait3A_96] : memref<327808xi32, #tpu.memory_space<hbm>> -> memref<128xi32, #tpu.memory_space<hbm>>
    %dma_wait3A_98 = arith.constant 0 : i32
    %dma_wait3A_99 = tpu.memref_slice %arg3[%dma_wait3A_98] : memref<327808xi32, #tpu.memory_space<hbm>> -> memref<128xi32, #tpu.memory_space<hbm>>
    tpu.wait_dma2 semaphore(%arg17 : memref<!tpu.dma_semaphore, #tpu.memory_space<semaphore_mem>>) src(%dma_wait3A_99 : memref<128xi32, #tpu.memory_space<hbm>>) dst(%arg11 : memref<128xi32, #tpu.memory_space<vmem>>)
    tpu.wait_dma2 semaphore(%arg19 : memref<!tpu.dma_semaphore, #tpu.memory_space<semaphore_mem>>) src(%arg5 : memref<128x128xf32, #tpu.memory_space<hbm>>) dst(%arg13 : memref<128x128xf32, #tpu.memory_space<vmem>>)
    %dma_wait3A_100 = arith.constant 0 : i32
    %dma_wait3A_101 = arith.constant 0 : i32
    %dma_wait3A_102 = tpu.memref_slice %arg24[%dma_wait3A_100, %dma_wait3A_101] : memref<10240x128xf32, #tpu.memory_space<vmem_shared>> -> memref<10240x128xf32, #tpu.memory_space<vmem_shared>>
    tpu.wait_indirect_dma semaphore(%arg20 : memref<!tpu.dma_semaphore, #tpu.memory_space<semaphore_mem>>) src(%arg12 : memref<128x128xf32, #tpu.memory_space<vmem>>) dst(%dma_wait3A_102 : memref<10240x128xf32, #tpu.memory_space<vmem_shared>>)
    %add3A_103 = arith.constant 256 : i32
    %add3A_104 = arith.addi %mul3A_70, %add3A_103 : i32
    %dma_start3A_105 = tpu.memref_slice %arg4[%add3A_104] : memref<327808xi32, #tpu.memory_space<hbm>> -> memref<128xi32, #tpu.memory_space<hbm>>
    %dma_start3A_106 = tpu.memref_slice %arg4[%add3A_104] : memref<327808xi32, #tpu.memory_space<hbm>> -> memref<128xi32, #tpu.memory_space<hbm>>
    tpu.enqueue_dma source(%dma_start3A_106 : memref<128xi32, #tpu.memory_space<hbm>>) target(%arg10 : memref<128xi32, #tpu.memory_space<vmem>>) target_semaphore(%arg16 : memref<!tpu.dma_semaphore, #tpu.memory_space<semaphore_mem>>)
    %dma_start3A_107 = arith.constant 256 : i32
    %dma_start3A_108 = tpu.memref_slice %arg9[%dma_start3A_107] : memref<10368xi32, #tpu.memory_space<vmem>> -> memref<128xi32, #tpu.memory_space<vmem>>
    %dma_start3A_109 = arith.constant 0 : i32
    %dma_start3A_110 = arith.constant 0 : i32
    %dma_start3A_111 = tpu.memref_slice %arg2[%dma_start3A_109, %dma_start3A_110] : memref<10240x128xf32, #tpu.memory_space<hbm>> -> memref<10240x128xf32, #tpu.memory_space<hbm>>
    tpu.enqueue_indirect_dma source(%dma_start3A_111 : memref<10240x128xf32, #tpu.memory_space<hbm>>) target(%arg12 : memref<128x128xf32, #tpu.memory_space<vmem>>) offsets(%dma_start3A_108 : memref<128xi32, #tpu.memory_space<vmem>>) semaphore(%arg18 : memref<!tpu.dma_semaphore, #tpu.memory_space<semaphore_mem>>)
    %dma_start3A_112 = arith.constant 0 : i32
    %dma_start3A_113 = arith.constant 0 : i32
    %dma_start3A_114 = tpu.memref_slice %arg24[%dma_start3A_112, %dma_start3A_113] : memref<10240x128xf32, #tpu.memory_space<vmem_shared>> -> memref<10240x128xf32, #tpu.memory_space<vmem_shared>>
    tpu.enqueue_indirect_dma source(%arg13 : memref<128x128xf32, #tpu.memory_space<vmem>>) target(%dma_start3A_114 : memref<10240x128xf32, #tpu.memory_space<vmem_shared>>) offsets(%arg11 : memref<128xi32, #tpu.memory_space<vmem>>) semaphore(%arg21 : memref<!tpu.dma_semaphore, #tpu.memory_space<semaphore_mem>>) {add = true}
    %scan3A = arith.constant 0 : i32
    %scan3A_115 = arith.constant 1 : i32
    %scan3A_116 = arith.constant 39 : i32
    %scan3A_117 = arith.addi %scan3A_115, %scan3A_116 : i32
    %scan3A_118 = arith.constant 1 : i32
    scf.for %scan3A_255 = %scan3A_115 to %scan3A_117 step %scan3A_118  : i32 {
      %dma_wait3A_256 = arith.constant 0 : i32
      %dma_wait3A_257 = tpu.memref_slice %arg3[%dma_wait3A_256] : memref<327808xi32, #tpu.memory_space<hbm>> -> memref<128xi32, #tpu.memory_space<hbm>>
      %dma_wait3A_258 = arith.constant 0 : i32
      %dma_wait3A_259 = tpu.memref_slice %arg3[%dma_wait3A_258] : memref<327808xi32, #tpu.memory_space<hbm>> -> memref<128xi32, #tpu.memory_space<hbm>>
      tpu.wait_dma2 semaphore(%arg16 : memref<!tpu.dma_semaphore, #tpu.memory_space<semaphore_mem>>) src(%dma_wait3A_259 : memref<128xi32, #tpu.memory_space<hbm>>) dst(%arg10 : memref<128xi32, #tpu.memory_space<vmem>>)
      tpu.wait_dma2 semaphore(%arg18 : memref<!tpu.dma_semaphore, #tpu.memory_space<semaphore_mem>>) src(%arg5 : memref<128x128xf32, #tpu.memory_space<hbm>>) dst(%arg12 : memref<128x128xf32, #tpu.memory_space<vmem>>)
      %dma_start3A_260 = arith.constant 0 : i32
      %dma_start3A_261 = arith.constant 0 : i32
      %dma_start3A_262 = tpu.memref_slice %arg24[%dma_start3A_260, %dma_start3A_261] : memref<10240x128xf32, #tpu.memory_space<vmem_shared>> -> memref<10240x128xf32, #tpu.memory_space<vmem_shared>>
      tpu.enqueue_indirect_dma source(%arg12 : memref<128x128xf32, #tpu.memory_space<vmem>>) target(%dma_start3A_262 : memref<10240x128xf32, #tpu.memory_space<vmem_shared>>) offsets(%arg10 : memref<128xi32, #tpu.memory_space<vmem>>) semaphore(%arg20 : memref<!tpu.dma_semaphore, #tpu.memory_space<semaphore_mem>>) {add = true}
      tpu.wait_dma2 semaphore(%arg21 : memref<!tpu.dma_semaphore, #tpu.memory_space<semaphore_mem>>) src(%arg5 : memref<128x128xf32, #tpu.memory_space<hbm>>) dst(%arg13 : memref<128x128xf32, #tpu.memory_space<vmem>>)
      %mul3A_263 = arith.constant 2 : i32
      %mul3A_264 = arith.muli %mul3A_263, %scan3A_255 : i32
      %add3A_265 = arith.constant 1 : i32
      %add3A_266 = arith.addi %mul3A_264, %add3A_265 : i32
      %mul3A_267 = arith.constant 128 : i32
      %mul3A_268 = arith.muli %add3A_266, %mul3A_267 : i32
      %add3A_269 = arith.addi %mul3A_70, %mul3A_268 : i32
      %dma_start3A_270 = tpu.memref_slice %arg4[%add3A_269] : memref<327808xi32, #tpu.memory_space<hbm>> -> memref<128xi32, #tpu.memory_space<hbm>>
      %dma_start3A_271 = tpu.memref_slice %arg4[%add3A_269] : memref<327808xi32, #tpu.memory_space<hbm>> -> memref<128xi32, #tpu.memory_space<hbm>>
      tpu.enqueue_dma source(%dma_start3A_271 : memref<128xi32, #tpu.memory_space<hbm>>) target(%arg11 : memref<128xi32, #tpu.memory_space<vmem>>) target_semaphore(%arg17 : memref<!tpu.dma_semaphore, #tpu.memory_space<semaphore_mem>>)
      %mul3A_272 = arith.constant 128 : i32
      %mul3A_273 = arith.muli %add3A_266, %mul3A_272 : i32
      %dma_start3A_274 = tpu.memref_slice %arg9[%mul3A_273] : memref<10368xi32, #tpu.memory_space<vmem>> -> memref<128xi32, #tpu.memory_space<vmem>>
      %dma_start3A_275 = arith.constant 0 : i32
      %dma_start3A_276 = arith.constant 0 : i32
      %dma_start3A_277 = tpu.memref_slice %arg2[%dma_start3A_275, %dma_start3A_276] : memref<10240x128xf32, #tpu.memory_space<hbm>> -> memref<10240x128xf32, #tpu.memory_space<hbm>>
      tpu.enqueue_indirect_dma source(%dma_start3A_277 : memref<10240x128xf32, #tpu.memory_space<hbm>>) target(%arg13 : memref<128x128xf32, #tpu.memory_space<vmem>>) offsets(%dma_start3A_274 : memref<128xi32, #tpu.memory_space<vmem>>) semaphore(%arg19 : memref<!tpu.dma_semaphore, #tpu.memory_space<semaphore_mem>>)
      %dma_wait3A_278 = arith.constant 0 : i32
      %dma_wait3A_279 = tpu.memref_slice %arg3[%dma_wait3A_278] : memref<327808xi32, #tpu.memory_space<hbm>> -> memref<128xi32, #tpu.memory_space<hbm>>
      %dma_wait3A_280 = arith.constant 0 : i32
      %dma_wait3A_281 = tpu.memref_slice %arg3[%dma_wait3A_280] : memref<327808xi32, #tpu.memory_space<hbm>> -> memref<128xi32, #tpu.memory_space<hbm>>
      tpu.wait_dma2 semaphore(%arg17 : memref<!tpu.dma_semaphore, #tpu.memory_space<semaphore_mem>>) src(%dma_wait3A_281 : memref<128xi32, #tpu.memory_space<hbm>>) dst(%arg11 : memref<128xi32, #tpu.memory_space<vmem>>)
      tpu.wait_dma2 semaphore(%arg19 : memref<!tpu.dma_semaphore, #tpu.memory_space<semaphore_mem>>) src(%arg5 : memref<128x128xf32, #tpu.memory_space<hbm>>) dst(%arg13 : memref<128x128xf32, #tpu.memory_space<vmem>>)
      tpu.wait_dma2 semaphore(%arg20 : memref<!tpu.dma_semaphore, #tpu.memory_space<semaphore_mem>>) src(%arg5 : memref<128x128xf32, #tpu.memory_space<hbm>>) dst(%arg12 : memref<128x128xf32, #tpu.memory_space<vmem>>)
      %mul3A_282 = arith.constant 2 : i32
      %mul3A_283 = arith.muli %mul3A_282, %scan3A_255 : i32
      %add3A_284 = arith.constant 2 : i32
      %add3A_285 = arith.addi %mul3A_283, %add3A_284 : i32
      %mul3A_286 = arith.constant 128 : i32
      %mul3A_287 = arith.muli %add3A_285, %mul3A_286 : i32
      %add3A_288 = arith.addi %mul3A_70, %mul3A_287 : i32
      %dma_start3A_289 = tpu.memref_slice %arg4[%add3A_288] : memref<327808xi32, #tpu.memory_space<hbm>> -> memref<128xi32, #tpu.memory_space<hbm>>
      %dma_start3A_290 = tpu.memref_slice %arg4[%add3A_288] : memref<327808xi32, #tpu.memory_space<hbm>> -> memref<128xi32, #tpu.memory_space<hbm>>
      tpu.enqueue_dma source(%dma_start3A_290 : memref<128xi32, #tpu.memory_space<hbm>>) target(%arg10 : memref<128xi32, #tpu.memory_space<vmem>>) target_semaphore(%arg16 : memref<!tpu.dma_semaphore, #tpu.memory_space<semaphore_mem>>)
      %mul3A_291 = arith.constant 128 : i32
      %mul3A_292 = arith.muli %add3A_285, %mul3A_291 : i32
      %dma_start3A_293 = tpu.memref_slice %arg9[%mul3A_292] : memref<10368xi32, #tpu.memory_space<vmem>> -> memref<128xi32, #tpu.memory_space<vmem>>
      %dma_start3A_294 = arith.constant 0 : i32
      %dma_start3A_295 = arith.constant 0 : i32
      %dma_start3A_296 = tpu.memref_slice %arg2[%dma_start3A_294, %dma_start3A_295] : memref<10240x128xf32, #tpu.memory_space<hbm>> -> memref<10240x128xf32, #tpu.memory_space<hbm>>
      tpu.enqueue_indirect_dma source(%dma_start3A_296 : memref<10240x128xf32, #tpu.memory_space<hbm>>) target(%arg12 : memref<128x128xf32, #tpu.memory_space<vmem>>) offsets(%dma_start3A_293 : memref<128xi32, #tpu.memory_space<vmem>>) semaphore(%arg18 : memref<!tpu.dma_semaphore, #tpu.memory_space<semaphore_mem>>)
      %dma_start3A_297 = arith.constant 0 : i32
      %dma_start3A_298 = arith.constant 0 : i32
      %dma_start3A_299 = tpu.memref_slice %arg24[%dma_start3A_297, %dma_start3A_298] : memref<10240x128xf32, #tpu.memory_space<vmem_shared>> -> memref<10240x128xf32, #tpu.memory_space<vmem_shared>>
      tpu.enqueue_indirect_dma source(%arg13 : memref<128x128xf32, #tpu.memory_space<vmem>>) target(%dma_start3A_299 : memref<10240x128xf32, #tpu.memory_space<vmem_shared>>) offsets(%arg11 : memref<128xi32, #tpu.memory_space<vmem>>) semaphore(%arg21 : memref<!tpu.dma_semaphore, #tpu.memory_space<semaphore_mem>>) {add = true}
    }
    %scan3A_119 = arith.constant 39 : i32
    %dma_wait3A_120 = arith.constant 0 : i32
    %dma_wait3A_121 = tpu.memref_slice %arg3[%dma_wait3A_120] : memref<327808xi32, #tpu.memory_space<hbm>> -> memref<128xi32, #tpu.memory_space<hbm>>
    %dma_wait3A_122 = arith.constant 0 : i32
    %dma_wait3A_123 = tpu.memref_slice %arg3[%dma_wait3A_122] : memref<327808xi32, #tpu.memory_space<hbm>> -> memref<128xi32, #tpu.memory_space<hbm>>
    tpu.wait_dma2 semaphore(%arg16 : memref<!tpu.dma_semaphore, #tpu.memory_space<semaphore_mem>>) src(%dma_wait3A_123 : memref<128xi32, #tpu.memory_space<hbm>>) dst(%arg10 : memref<128xi32, #tpu.memory_space<vmem>>)
    tpu.wait_dma2 semaphore(%arg18 : memref<!tpu.dma_semaphore, #tpu.memory_space<semaphore_mem>>) src(%arg5 : memref<128x128xf32, #tpu.memory_space<hbm>>) dst(%arg12 : memref<128x128xf32, #tpu.memory_space<vmem>>)
    tpu.wait_dma2 semaphore(%arg21 : memref<!tpu.dma_semaphore, #tpu.memory_space<semaphore_mem>>) src(%arg5 : memref<128x128xf32, #tpu.memory_space<hbm>>) dst(%arg13 : memref<128x128xf32, #tpu.memory_space<vmem>>)
    %barrier3A_124 = arith.constant 0 : index
    tpu.barrier barrier_id(%barrier3A_124)
    %mul3A_125 = arith.constant 5 : i32
    %mul3A_126 = arith.muli %arg1, %mul3A_125 : i32
    %add3A_127 = arith.constant 0 : i32
    %add3A_128 = arith.addi %mul3A_126, %add3A_127 : i32
    %mul3A_129 = arith.constant 128 : i32
    %mul3A_130 = arith.muli %add3A_128, %mul3A_129 : i32
    %dma_start3A_131 = arith.constant 0 : i32
    %dma_start3A_132 = tpu.memref_slice %arg24[%mul3A_130, %dma_start3A_131] : memref<10240x128xf32, #tpu.memory_space<vmem_shared>> -> memref<128x128xf32, #tpu.memory_space<vmem_shared>>
    %dma_start3A_133 = arith.constant 0 : i32
    %dma_start3A_134 = tpu.memref_slice %arg24[%mul3A_130, %dma_start3A_133] : memref<10240x128xf32, #tpu.memory_space<vmem_shared>> -> memref<128x128xf32, #tpu.memory_space<vmem_shared>>
    tpu.enqueue_dma source(%dma_start3A_134 : memref<128x128xf32, #tpu.memory_space<vmem_shared>>) target(%arg12 : memref<128x128xf32, #tpu.memory_space<vmem>>) target_semaphore(%arg18 : memref<!tpu.dma_semaphore, #tpu.memory_space<semaphore_mem>>)
    %dma_wait3A_135 = arith.constant 0 : i32
    %dma_wait3A_136 = tpu.memref_slice %arg24[%mul3A_130, %dma_wait3A_135] : memref<10240x128xf32, #tpu.memory_space<vmem_shared>> -> memref<128x128xf32, #tpu.memory_space<vmem_shared>>
    %dma_wait3A_137 = arith.constant 0 : i32
    %dma_wait3A_138 = tpu.memref_slice %arg24[%mul3A_130, %dma_wait3A_137] : memref<10240x128xf32, #tpu.memory_space<vmem_shared>> -> memref<128x128xf32, #tpu.memory_space<vmem_shared>>
    tpu.wait_dma2 semaphore(%arg18 : memref<!tpu.dma_semaphore, #tpu.memory_space<semaphore_mem>>) src(%dma_wait3A_138 : memref<128x128xf32, #tpu.memory_space<vmem_shared>>) dst(%arg12 : memref<128x128xf32, #tpu.memory_space<vmem>>)
    %dma_start3A_139 = arith.constant 0 : i32
    %dma_start3A_140 = tpu.memref_slice %arg8[%arg0, %mul3A_130, %dma_start3A_139] : memref<2x10240x128xf32, #tpu.memory_space<hbm>> -> memref<1x128x128xf32, #tpu.memory_space<hbm>>
    %dma_start3A_141 = tpu.memref_squeeze %dma_start3A_140 : memref<1x128x128xf32, #tpu.memory_space<hbm>> -> memref<128x128xf32, #tpu.memory_space<hbm>>
    %dma_start3A_142 = arith.constant 0 : i32
    %dma_start3A_143 = tpu.memref_slice %arg8[%arg0, %mul3A_130, %dma_start3A_142] : memref<2x10240x128xf32, #tpu.memory_space<hbm>> -> memref<1x128x128xf32, #tpu.memory_space<hbm>>
    %dma_start3A_144 = tpu.memref_squeeze %dma_start3A_143 : memref<1x128x128xf32, #tpu.memory_space<hbm>> -> memref<128x128xf32, #tpu.memory_space<hbm>>
    tpu.enqueue_dma source(%arg12 : memref<128x128xf32, #tpu.memory_space<vmem>>) target(%dma_start3A_144 : memref<128x128xf32, #tpu.memory_space<hbm>>) target_semaphore(%arg20 : memref<!tpu.dma_semaphore, #tpu.memory_space<semaphore_mem>>)
    %mul3A_145 = arith.constant 5 : i32
    %mul3A_146 = arith.muli %arg1, %mul3A_145 : i32
    %add3A_147 = arith.constant 1 : i32
    %add3A_148 = arith.addi %mul3A_146, %add3A_147 : i32
    %mul3A_149 = arith.constant 128 : i32
    %mul3A_150 = arith.muli %add3A_148, %mul3A_149 : i32
    %dma_start3A_151 = arith.constant 0 : i32
    %dma_start3A_152 = tpu.memref_slice %arg24[%mul3A_150, %dma_start3A_151] : memref<10240x128xf32, #tpu.memory_space<vmem_shared>> -> memref<128x128xf32, #tpu.memory_space<vmem_shared>>
    %dma_start3A_153 = arith.constant 0 : i32
    %dma_start3A_154 = tpu.memref_slice %arg24[%mul3A_150, %dma_start3A_153] : memref<10240x128xf32, #tpu.memory_space<vmem_shared>> -> memref<128x128xf32, #tpu.memory_space<vmem_shared>>
    tpu.enqueue_dma source(%dma_start3A_154 : memref<128x128xf32, #tpu.memory_space<vmem_shared>>) target(%arg13 : memref<128x128xf32, #tpu.memory_space<vmem>>) target_semaphore(%arg19 : memref<!tpu.dma_semaphore, #tpu.memory_space<semaphore_mem>>)
    %dma_wait3A_155 = arith.constant 0 : i32
    %dma_wait3A_156 = tpu.memref_slice %arg24[%mul3A_150, %dma_wait3A_155] : memref<10240x128xf32, #tpu.memory_space<vmem_shared>> -> memref<128x128xf32, #tpu.memory_space<vmem_shared>>
    %dma_wait3A_157 = arith.constant 0 : i32
    %dma_wait3A_158 = tpu.memref_slice %arg24[%mul3A_150, %dma_wait3A_157] : memref<10240x128xf32, #tpu.memory_space<vmem_shared>> -> memref<128x128xf32, #tpu.memory_space<vmem_shared>>
    tpu.wait_dma2 semaphore(%arg19 : memref<!tpu.dma_semaphore, #tpu.memory_space<semaphore_mem>>) src(%dma_wait3A_158 : memref<128x128xf32, #tpu.memory_space<vmem_shared>>) dst(%arg13 : memref<128x128xf32, #tpu.memory_space<vmem>>)
    %dma_start3A_159 = arith.constant 0 : i32
    %dma_start3A_160 = tpu.memref_slice %arg8[%arg0, %mul3A_150, %dma_start3A_159] : memref<2x10240x128xf32, #tpu.memory_space<hbm>> -> memref<1x128x128xf32, #tpu.memory_space<hbm>>
    %dma_start3A_161 = tpu.memref_squeeze %dma_start3A_160 : memref<1x128x128xf32, #tpu.memory_space<hbm>> -> memref<128x128xf32, #tpu.memory_space<hbm>>
    %dma_start3A_162 = arith.constant 0 : i32
    %dma_start3A_163 = tpu.memref_slice %arg8[%arg0, %mul3A_150, %dma_start3A_162] : memref<2x10240x128xf32, #tpu.memory_space<hbm>> -> memref<1x128x128xf32, #tpu.memory_space<hbm>>
    %dma_start3A_164 = tpu.memref_squeeze %dma_start3A_163 : memref<1x128x128xf32, #tpu.memory_space<hbm>> -> memref<128x128xf32, #tpu.memory_space<hbm>>
    tpu.enqueue_dma source(%arg13 : memref<128x128xf32, #tpu.memory_space<vmem>>) target(%dma_start3A_164 : memref<128x128xf32, #tpu.memory_space<hbm>>) target_semaphore(%arg21 : memref<!tpu.dma_semaphore, #tpu.memory_space<semaphore_mem>>)
    %dma_wait3A_165 = arith.constant 0 : i32
    %dma_wait3A_166 = tpu.memref_slice %arg8[%arg0, %mul3A_130, %dma_wait3A_165] : memref<2x10240x128xf32, #tpu.memory_space<hbm>> -> memref<1x128x128xf32, #tpu.memory_space<hbm>>
    %dma_wait3A_167 = tpu.memref_squeeze %dma_wait3A_166 : memref<1x128x128xf32, #tpu.memory_space<hbm>> -> memref<128x128xf32, #tpu.memory_space<hbm>>
    %dma_wait3A_168 = arith.constant 0 : i32
    %dma_wait3A_169 = tpu.memref_slice %arg8[%arg0, %mul3A_130, %dma_wait3A_168] : memref<2x10240x128xf32, #tpu.memory_space<hbm>> -> memref<1x128x128xf32, #tpu.memory_space<hbm>>
    %dma_wait3A_170 = tpu.memref_squeeze %dma_wait3A_169 : memref<1x128x128xf32, #tpu.memory_space<hbm>> -> memref<128x128xf32, #tpu.memory_space<hbm>>
    tpu.wait_dma2 semaphore(%arg20 : memref<!tpu.dma_semaphore, #tpu.memory_space<semaphore_mem>>) src(%arg12 : memref<128x128xf32, #tpu.memory_space<vmem>>) dst(%dma_wait3A_170 : memref<128x128xf32, #tpu.memory_space<hbm>>)
    %mul3A_171 = arith.constant 5 : i32
    %mul3A_172 = arith.muli %arg1, %mul3A_171 : i32
    %add3A_173 = arith.constant 2 : i32
    %add3A_174 = arith.addi %mul3A_172, %add3A_173 : i32
    %mul3A_175 = arith.constant 128 : i32
    %mul3A_176 = arith.muli %add3A_174, %mul3A_175 : i32
    %dma_start3A_177 = arith.constant 0 : i32
    %dma_start3A_178 = tpu.memref_slice %arg24[%mul3A_176, %dma_start3A_177] : memref<10240x128xf32, #tpu.memory_space<vmem_shared>> -> memref<128x128xf32, #tpu.memory_space<vmem_shared>>
    %dma_start3A_179 = arith.constant 0 : i32
    %dma_start3A_180 = tpu.memref_slice %arg24[%mul3A_176, %dma_start3A_179] : memref<10240x128xf32, #tpu.memory_space<vmem_shared>> -> memref<128x128xf32, #tpu.memory_space<vmem_shared>>
    tpu.enqueue_dma source(%dma_start3A_180 : memref<128x128xf32, #tpu.memory_space<vmem_shared>>) target(%arg12 : memref<128x128xf32, #tpu.memory_space<vmem>>) target_semaphore(%arg18 : memref<!tpu.dma_semaphore, #tpu.memory_space<semaphore_mem>>)
    %dma_wait3A_181 = arith.constant 0 : i32
    %dma_wait3A_182 = tpu.memref_slice %arg24[%mul3A_176, %dma_wait3A_181] : memref<10240x128xf32, #tpu.memory_space<vmem_shared>> -> memref<128x128xf32, #tpu.memory_space<vmem_shared>>
    %dma_wait3A_183 = arith.constant 0 : i32
    %dma_wait3A_184 = tpu.memref_slice %arg24[%mul3A_176, %dma_wait3A_183] : memref<10240x128xf32, #tpu.memory_space<vmem_shared>> -> memref<128x128xf32, #tpu.memory_space<vmem_shared>>
    tpu.wait_dma2 semaphore(%arg18 : memref<!tpu.dma_semaphore, #tpu.memory_space<semaphore_mem>>) src(%dma_wait3A_184 : memref<128x128xf32, #tpu.memory_space<vmem_shared>>) dst(%arg12 : memref<128x128xf32, #tpu.memory_space<vmem>>)
    %dma_start3A_185 = arith.constant 0 : i32
    %dma_start3A_186 = tpu.memref_slice %arg8[%arg0, %mul3A_176, %dma_start3A_185] : memref<2x10240x128xf32, #tpu.memory_space<hbm>> -> memref<1x128x128xf32, #tpu.memory_space<hbm>>
    %dma_start3A_187 = tpu.memref_squeeze %dma_start3A_186 : memref<1x128x128xf32, #tpu.memory_space<hbm>> -> memref<128x128xf32, #tpu.memory_space<hbm>>
    %dma_start3A_188 = arith.constant 0 : i32
    %dma_start3A_189 = tpu.memref_slice %arg8[%arg0, %mul3A_176, %dma_start3A_188] : memref<2x10240x128xf32, #tpu.memory_space<hbm>> -> memref<1x128x128xf32, #tpu.memory_space<hbm>>
    %dma_start3A_190 = tpu.memref_squeeze %dma_start3A_189 : memref<1x128x128xf32, #tpu.memory_space<hbm>> -> memref<128x128xf32, #tpu.memory_space<hbm>>
    tpu.enqueue_dma source(%arg12 : memref<128x128xf32, #tpu.memory_space<vmem>>) target(%dma_start3A_190 : memref<128x128xf32, #tpu.memory_space<hbm>>) target_semaphore(%arg20 : memref<!tpu.dma_semaphore, #tpu.memory_space<semaphore_mem>>)
    %dma_wait3A_191 = arith.constant 0 : i32
    %dma_wait3A_192 = tpu.memref_slice %arg8[%arg0, %mul3A_150, %dma_wait3A_191] : memref<2x10240x128xf32, #tpu.memory_space<hbm>> -> memref<1x128x128xf32, #tpu.memory_space<hbm>>
    %dma_wait3A_193 = tpu.memref_squeeze %dma_wait3A_192 : memref<1x128x128xf32, #tpu.memory_space<hbm>> -> memref<128x128xf32, #tpu.memory_space<hbm>>
    %dma_wait3A_194 = arith.constant 0 : i32
    %dma_wait3A_195 = tpu.memref_slice %arg8[%arg0, %mul3A_150, %dma_wait3A_194] : memref<2x10240x128xf32, #tpu.memory_space<hbm>> -> memref<1x128x128xf32, #tpu.memory_space<hbm>>
    %dma_wait3A_196 = tpu.memref_squeeze %dma_wait3A_195 : memref<1x128x128xf32, #tpu.memory_space<hbm>> -> memref<128x128xf32, #tpu.memory_space<hbm>>
    tpu.wait_dma2 semaphore(%arg21 : memref<!tpu.dma_semaphore, #tpu.memory_space<semaphore_mem>>) src(%arg13 : memref<128x128xf32, #tpu.memory_space<vmem>>) dst(%dma_wait3A_196 : memref<128x128xf32, #tpu.memory_space<hbm>>)
    %mul3A_197 = arith.constant 5 : i32
    %mul3A_198 = arith.muli %arg1, %mul3A_197 : i32
    %add3A_199 = arith.constant 3 : i32
    %add3A_200 = arith.addi %mul3A_198, %add3A_199 : i32
    %mul3A_201 = arith.constant 128 : i32
    %mul3A_202 = arith.muli %add3A_200, %mul3A_201 : i32
    %dma_start3A_203 = arith.constant 0 : i32
    %dma_start3A_204 = tpu.memref_slice %arg24[%mul3A_202, %dma_start3A_203] : memref<10240x128xf32, #tpu.memory_space<vmem_shared>> -> memref<128x128xf32, #tpu.memory_space<vmem_shared>>
    %dma_start3A_205 = arith.constant 0 : i32
    %dma_start3A_206 = tpu.memref_slice %arg24[%mul3A_202, %dma_start3A_205] : memref<10240x128xf32, #tpu.memory_space<vmem_shared>> -> memref<128x128xf32, #tpu.memory_space<vmem_shared>>
    tpu.enqueue_dma source(%dma_start3A_206 : memref<128x128xf32, #tpu.memory_space<vmem_shared>>) target(%arg13 : memref<128x128xf32, #tpu.memory_space<vmem>>) target_semaphore(%arg19 : memref<!tpu.dma_semaphore, #tpu.memory_space<semaphore_mem>>)
    %dma_wait3A_207 = arith.constant 0 : i32
    %dma_wait3A_208 = tpu.memref_slice %arg24[%mul3A_202, %dma_wait3A_207] : memref<10240x128xf32, #tpu.memory_space<vmem_shared>> -> memref<128x128xf32, #tpu.memory_space<vmem_shared>>
    %dma_wait3A_209 = arith.constant 0 : i32
    %dma_wait3A_210 = tpu.memref_slice %arg24[%mul3A_202, %dma_wait3A_209] : memref<10240x128xf32, #tpu.memory_space<vmem_shared>> -> memref<128x128xf32, #tpu.memory_space<vmem_shared>>
    tpu.wait_dma2 semaphore(%arg19 : memref<!tpu.dma_semaphore, #tpu.memory_space<semaphore_mem>>) src(%dma_wait3A_210 : memref<128x128xf32, #tpu.memory_space<vmem_shared>>) dst(%arg13 : memref<128x128xf32, #tpu.memory_space<vmem>>)
    %dma_start3A_211 = arith.constant 0 : i32
    %dma_start3A_212 = tpu.memref_slice %arg8[%arg0, %mul3A_202, %dma_start3A_211] : memref<2x10240x128xf32, #tpu.memory_space<hbm>> -> memref<1x128x128xf32, #tpu.memory_space<hbm>>
    %dma_start3A_213 = tpu.memref_squeeze %dma_start3A_212 : memref<1x128x128xf32, #tpu.memory_space<hbm>> -> memref<128x128xf32, #tpu.memory_space<hbm>>
    %dma_start3A_214 = arith.constant 0 : i32
    %dma_start3A_215 = tpu.memref_slice %arg8[%arg0, %mul3A_202, %dma_start3A_214] : memref<2x10240x128xf32, #tpu.memory_space<hbm>> -> memref<1x128x128xf32, #tpu.memory_space<hbm>>
    %dma_start3A_216 = tpu.memref_squeeze %dma_start3A_215 : memref<1x128x128xf32, #tpu.memory_space<hbm>> -> memref<128x128xf32, #tpu.memory_space<hbm>>
    tpu.enqueue_dma source(%arg13 : memref<128x128xf32, #tpu.memory_space<vmem>>) target(%dma_start3A_216 : memref<128x128xf32, #tpu.memory_space<hbm>>) target_semaphore(%arg21 : memref<!tpu.dma_semaphore, #tpu.memory_space<semaphore_mem>>)
    %dma_wait3A_217 = arith.constant 0 : i32
    %dma_wait3A_218 = tpu.memref_slice %arg8[%arg0, %mul3A_176, %dma_wait3A_217] : memref<2x10240x128xf32, #tpu.memory_space<hbm>> -> memref<1x128x128xf32, #tpu.memory_space<hbm>>
    %dma_wait3A_219 = tpu.memref_squeeze %dma_wait3A_218 : memref<1x128x128xf32, #tpu.memory_space<hbm>> -> memref<128x128xf32, #tpu.memory_space<hbm>>
    %dma_wait3A_220 = arith.constant 0 : i32
    %dma_wait3A_221 = tpu.memref_slice %arg8[%arg0, %mul3A_176, %dma_wait3A_220] : memref<2x10240x128xf32, #tpu.memory_space<hbm>> -> memref<1x128x128xf32, #tpu.memory_space<hbm>>
    %dma_wait3A_222 = tpu.memref_squeeze %dma_wait3A_221 : memref<1x128x128xf32, #tpu.memory_space<hbm>> -> memref<128x128xf32, #tpu.memory_space<hbm>>
    tpu.wait_dma2 semaphore(%arg20 : memref<!tpu.dma_semaphore, #tpu.memory_space<semaphore_mem>>) src(%arg12 : memref<128x128xf32, #tpu.memory_space<vmem>>) dst(%dma_wait3A_222 : memref<128x128xf32, #tpu.memory_space<hbm>>)
    %mul3A_223 = arith.constant 5 : i32
    %mul3A_224 = arith.muli %arg1, %mul3A_223 : i32
    %add3A_225 = arith.constant 4 : i32
    %add3A_226 = arith.addi %mul3A_224, %add3A_225 : i32
    %mul3A_227 = arith.constant 128 : i32
    %mul3A_228 = arith.muli %add3A_226, %mul3A_227 : i32
    %dma_start3A_229 = arith.constant 0 : i32
    %dma_start3A_230 = tpu.memref_slice %arg24[%mul3A_228, %dma_start3A_229] : memref<10240x128xf32, #tpu.memory_space<vmem_shared>> -> memref<128x128xf32, #tpu.memory_space<vmem_shared>>
    %dma_start3A_231 = arith.constant 0 : i32
    %dma_start3A_232 = tpu.memref_slice %arg24[%mul3A_228, %dma_start3A_231] : memref<10240x128xf32, #tpu.memory_space<vmem_shared>> -> memref<128x128xf32, #tpu.memory_space<vmem_shared>>
    tpu.enqueue_dma source(%dma_start3A_232 : memref<128x128xf32, #tpu.memory_space<vmem_shared>>) target(%arg12 : memref<128x128xf32, #tpu.memory_space<vmem>>) target_semaphore(%arg18 : memref<!tpu.dma_semaphore, #tpu.memory_space<semaphore_mem>>)
    %dma_wait3A_233 = arith.constant 0 : i32
    %dma_wait3A_234 = tpu.memref_slice %arg24[%mul3A_228, %dma_wait3A_233] : memref<10240x128xf32, #tpu.memory_space<vmem_shared>> -> memref<128x128xf32, #tpu.memory_space<vmem_shared>>
    %dma_wait3A_235 = arith.constant 0 : i32
    %dma_wait3A_236 = tpu.memref_slice %arg24[%mul3A_228, %dma_wait3A_235] : memref<10240x128xf32, #tpu.memory_space<vmem_shared>> -> memref<128x128xf32, #tpu.memory_space<vmem_shared>>
    tpu.wait_dma2 semaphore(%arg18 : memref<!tpu.dma_semaphore, #tpu.memory_space<semaphore_mem>>) src(%dma_wait3A_236 : memref<128x128xf32, #tpu.memory_space<vmem_shared>>) dst(%arg12 : memref<128x128xf32, #tpu.memory_space<vmem>>)
    %dma_start3A_237 = arith.constant 0 : i32
    %dma_start3A_238 = tpu.memref_slice %arg8[%arg0, %mul3A_228, %dma_start3A_237] : memref<2x10240x128xf32, #tpu.memory_space<hbm>> -> memref<1x128x128xf32, #tpu.memory_space<hbm>>
    %dma_start3A_239 = tpu.memref_squeeze %dma_start3A_238 : memref<1x128x128xf32, #tpu.memory_space<hbm>> -> memref<128x128xf32, #tpu.memory_space<hbm>>
    %dma_start3A_240 = arith.constant 0 : i32
    %dma_start3A_241 = tpu.memref_slice %arg8[%arg0, %mul3A_228, %dma_start3A_240] : memref<2x10240x128xf32, #tpu.memory_space<hbm>> -> memref<1x128x128xf32, #tpu.memory_space<hbm>>
    %dma_start3A_242 = tpu.memref_squeeze %dma_start3A_241 : memref<1x128x128xf32, #tpu.memory_space<hbm>> -> memref<128x128xf32, #tpu.memory_space<hbm>>
    tpu.enqueue_dma source(%arg12 : memref<128x128xf32, #tpu.memory_space<vmem>>) target(%dma_start3A_242 : memref<128x128xf32, #tpu.memory_space<hbm>>) target_semaphore(%arg20 : memref<!tpu.dma_semaphore, #tpu.memory_space<semaphore_mem>>)
    %dma_wait3A_243 = arith.constant 0 : i32
    %dma_wait3A_244 = tpu.memref_slice %arg8[%arg0, %mul3A_228, %dma_wait3A_243] : memref<2x10240x128xf32, #tpu.memory_space<hbm>> -> memref<1x128x128xf32, #tpu.memory_space<hbm>>
    %dma_wait3A_245 = tpu.memref_squeeze %dma_wait3A_244 : memref<1x128x128xf32, #tpu.memory_space<hbm>> -> memref<128x128xf32, #tpu.memory_space<hbm>>
    %dma_wait3A_246 = arith.constant 0 : i32
    %dma_wait3A_247 = tpu.memref_slice %arg8[%arg0, %mul3A_228, %dma_wait3A_246] : memref<2x10240x128xf32, #tpu.memory_space<hbm>> -> memref<1x128x128xf32, #tpu.memory_space<hbm>>
    %dma_wait3A_248 = tpu.memref_squeeze %dma_wait3A_247 : memref<1x128x128xf32, #tpu.memory_space<hbm>> -> memref<128x128xf32, #tpu.memory_space<hbm>>
    tpu.wait_dma2 semaphore(%arg20 : memref<!tpu.dma_semaphore, #tpu.memory_space<semaphore_mem>>) src(%arg12 : memref<128x128xf32, #tpu.memory_space<vmem>>) dst(%dma_wait3A_248 : memref<128x128xf32, #tpu.memory_space<hbm>>)
    %dma_wait3A_249 = arith.constant 0 : i32
    %dma_wait3A_250 = tpu.memref_slice %arg8[%arg0, %mul3A_202, %dma_wait3A_249] : memref<2x10240x128xf32, #tpu.memory_space<hbm>> -> memref<1x128x128xf32, #tpu.memory_space<hbm>>
    %dma_wait3A_251 = tpu.memref_squeeze %dma_wait3A_250 : memref<1x128x128xf32, #tpu.memory_space<hbm>> -> memref<128x128xf32, #tpu.memory_space<hbm>>
    %dma_wait3A_252 = arith.constant 0 : i32
    %dma_wait3A_253 = tpu.memref_slice %arg8[%arg0, %mul3A_202, %dma_wait3A_252] : memref<2x10240x128xf32, #tpu.memory_space<hbm>> -> memref<1x128x128xf32, #tpu.memory_space<hbm>>
    %dma_wait3A_254 = tpu.memref_squeeze %dma_wait3A_253 : memref<1x128x128xf32, #tpu.memory_space<hbm>> -> memref<128x128xf32, #tpu.memory_space<hbm>>
    tpu.wait_dma2 semaphore(%arg21 : memref<!tpu.dma_semaphore, #tpu.memory_space<semaphore_mem>>) src(%arg13 : memref<128x128xf32, #tpu.memory_space<vmem>>) dst(%dma_wait3A_254 : memref<128x128xf32, #tpu.memory_space<hbm>>)
    return
  }
}

#map = affine_map<(d0, d1) -> (0, 0)>
#map1 = affine_map<(d0, d1) -> (0)>
#map2 = affine_map<(d0, d1) -> (0, 0, 0)>
module attributes {stable_mosaic.version = 14 : i64} {
  func.func @_sc_aggregate(%arg0: i32, %arg1: i32, %arg2: memref<10240x128xf32, #tpu.memory_space<hbm>>, %arg3: memref<327808xi32, #tpu.memory_space<hbm>>, %arg4: memref<327808xi32, #tpu.memory_space<hbm>>, %arg5: memref<128x128xf32, #tpu.memory_space<hbm>>, %arg6: memref<10240xf32, #tpu.memory_space<hbm>>, %arg7: memref<128xf32, #tpu.memory_space<hbm>>, %arg8: memref<2x10240x128xf32, #tpu.memory_space<hbm>>, %arg9: memref<2x10240xf32, #tpu.memory_space<hbm>>, %arg10: memref<10368xi32, #tpu.memory_space<vmem>>, %arg11: memref<128xi32, #tpu.memory_space<vmem>>, %arg12: memref<128xi32, #tpu.memory_space<vmem>>, %arg13: memref<128x128xf32, #tpu.memory_space<vmem>>, %arg14: memref<128x128xf32, #tpu.memory_space<vmem>>, %arg15: memref<640xf32, #tpu.memory_space<vmem>>, %arg16: memref<128xf32, #tpu.memory_space<vmem>>, %arg17: memref<!tpu.dma_semaphore, #tpu.memory_space<semaphore_mem>>, %arg18: memref<!tpu.dma_semaphore, #tpu.memory_space<semaphore_mem>>, %arg19: memref<!tpu.dma_semaphore, #tpu.memory_space<semaphore_mem>>, %arg20: memref<!tpu.dma_semaphore, #tpu.memory_space<semaphore_mem>>, %arg21: memref<!tpu.dma_semaphore, #tpu.memory_space<semaphore_mem>>, %arg22: memref<!tpu.dma_semaphore, #tpu.memory_space<semaphore_mem>>, %arg23: memref<!tpu.dma_semaphore, #tpu.memory_space<semaphore_mem>>, %arg24: memref<!tpu.dma_semaphore, #tpu.memory_space<semaphore_mem>>, %arg25: memref<10240x128xf32, #tpu.memory_space<vmem_shared>>, %arg26: memref<10240xf32, #tpu.memory_space<vmem_shared>>) attributes {dimension_semantics = [#tpu.dimension_semantics<core_parallel>, #tpu.dimension_semantics<subcore_parallel>], iteration_bounds = array<i64: 2, 16>, scalar_prefetch = 0 : i64, scratch_operands = 17 : i64, tpu.core_type = #tpu.core_type<sc_vector_subcore>, window_params = [{transform_indices = #map}, {transform_indices = #map1}, {transform_indices = #map1}, {transform_indices = #map}, {transform_indices = #map1}, {transform_indices = #map1}, {transform_indices = #map2}, {transform_indices = #map}]} {
    %mul3A = arith.constant 16 : i32
    %mul3A_0 = arith.muli %arg0, %mul3A : i32
    %add3A = arith.addi %mul3A_0, %arg1 : i32
    "tpu.region"() ({
      %run_scoped3A = tpu.sem_alloc : memref<!tpu.dma_semaphore, #tpu.memory_space<semaphore_mem>>
      tpu.enqueue_dma source(%arg5 : memref<128x128xf32, #tpu.memory_space<hbm>>) target(%arg13 : memref<128x128xf32, #tpu.memory_space<vmem>>) target_semaphore(%run_scoped3A : memref<!tpu.dma_semaphore, #tpu.memory_space<semaphore_mem>>)
      tpu.wait_dma2 semaphore(%run_scoped3A : memref<!tpu.dma_semaphore, #tpu.memory_space<semaphore_mem>>) src(%arg5 : memref<128x128xf32, #tpu.memory_space<hbm>>) dst(%arg13 : memref<128x128xf32, #tpu.memory_space<vmem>>)
      tpu.yield
    }) : () -> ()
    %mul3A_1 = arith.constant 5 : i32
    %mul3A_2 = arith.muli %arg1, %mul3A_1 : i32
    %add3A_3 = arith.constant 0 : i32
    %add3A_4 = arith.addi %mul3A_2, %add3A_3 : i32
    %mul3A_5 = arith.constant 128 : i32
    %mul3A_6 = arith.muli %add3A_4, %mul3A_5 : i32
    %dma_start3A = arith.constant 0 : i32
    %dma_start3A_7 = tpu.memref_slice %arg25[%mul3A_6, %dma_start3A] : memref<10240x128xf32, #tpu.memory_space<vmem_shared>> -> memref<128x128xf32, #tpu.memory_space<vmem_shared>>
    %dma_start3A_8 = arith.constant 0 : i32
    %dma_start3A_9 = tpu.memref_slice %arg25[%mul3A_6, %dma_start3A_8] : memref<10240x128xf32, #tpu.memory_space<vmem_shared>> -> memref<128x128xf32, #tpu.memory_space<vmem_shared>>
    tpu.enqueue_dma source(%arg13 : memref<128x128xf32, #tpu.memory_space<vmem>>) target(%dma_start3A_9 : memref<128x128xf32, #tpu.memory_space<vmem_shared>>) target_semaphore(%arg21 : memref<!tpu.dma_semaphore, #tpu.memory_space<semaphore_mem>>)
    %mul3A_10 = arith.constant 5 : i32
    %mul3A_11 = arith.muli %arg1, %mul3A_10 : i32
    %add3A_12 = arith.constant 1 : i32
    %add3A_13 = arith.addi %mul3A_11, %add3A_12 : i32
    %mul3A_14 = arith.constant 128 : i32
    %mul3A_15 = arith.muli %add3A_13, %mul3A_14 : i32
    %dma_start3A_16 = arith.constant 0 : i32
    %dma_start3A_17 = tpu.memref_slice %arg25[%mul3A_15, %dma_start3A_16] : memref<10240x128xf32, #tpu.memory_space<vmem_shared>> -> memref<128x128xf32, #tpu.memory_space<vmem_shared>>
    %dma_start3A_18 = arith.constant 0 : i32
    %dma_start3A_19 = tpu.memref_slice %arg25[%mul3A_15, %dma_start3A_18] : memref<10240x128xf32, #tpu.memory_space<vmem_shared>> -> memref<128x128xf32, #tpu.memory_space<vmem_shared>>
    tpu.enqueue_dma source(%arg13 : memref<128x128xf32, #tpu.memory_space<vmem>>) target(%dma_start3A_19 : memref<128x128xf32, #tpu.memory_space<vmem_shared>>) target_semaphore(%arg21 : memref<!tpu.dma_semaphore, #tpu.memory_space<semaphore_mem>>)
    %mul3A_20 = arith.constant 5 : i32
    %mul3A_21 = arith.muli %arg1, %mul3A_20 : i32
    %add3A_22 = arith.constant 2 : i32
    %add3A_23 = arith.addi %mul3A_21, %add3A_22 : i32
    %mul3A_24 = arith.constant 128 : i32
    %mul3A_25 = arith.muli %add3A_23, %mul3A_24 : i32
    %dma_start3A_26 = arith.constant 0 : i32
    %dma_start3A_27 = tpu.memref_slice %arg25[%mul3A_25, %dma_start3A_26] : memref<10240x128xf32, #tpu.memory_space<vmem_shared>> -> memref<128x128xf32, #tpu.memory_space<vmem_shared>>
    %dma_start3A_28 = arith.constant 0 : i32
    %dma_start3A_29 = tpu.memref_slice %arg25[%mul3A_25, %dma_start3A_28] : memref<10240x128xf32, #tpu.memory_space<vmem_shared>> -> memref<128x128xf32, #tpu.memory_space<vmem_shared>>
    tpu.enqueue_dma source(%arg13 : memref<128x128xf32, #tpu.memory_space<vmem>>) target(%dma_start3A_29 : memref<128x128xf32, #tpu.memory_space<vmem_shared>>) target_semaphore(%arg21 : memref<!tpu.dma_semaphore, #tpu.memory_space<semaphore_mem>>)
    %mul3A_30 = arith.constant 5 : i32
    %mul3A_31 = arith.muli %arg1, %mul3A_30 : i32
    %add3A_32 = arith.constant 3 : i32
    %add3A_33 = arith.addi %mul3A_31, %add3A_32 : i32
    %mul3A_34 = arith.constant 128 : i32
    %mul3A_35 = arith.muli %add3A_33, %mul3A_34 : i32
    %dma_start3A_36 = arith.constant 0 : i32
    %dma_start3A_37 = tpu.memref_slice %arg25[%mul3A_35, %dma_start3A_36] : memref<10240x128xf32, #tpu.memory_space<vmem_shared>> -> memref<128x128xf32, #tpu.memory_space<vmem_shared>>
    %dma_start3A_38 = arith.constant 0 : i32
    %dma_start3A_39 = tpu.memref_slice %arg25[%mul3A_35, %dma_start3A_38] : memref<10240x128xf32, #tpu.memory_space<vmem_shared>> -> memref<128x128xf32, #tpu.memory_space<vmem_shared>>
    tpu.enqueue_dma source(%arg13 : memref<128x128xf32, #tpu.memory_space<vmem>>) target(%dma_start3A_39 : memref<128x128xf32, #tpu.memory_space<vmem_shared>>) target_semaphore(%arg21 : memref<!tpu.dma_semaphore, #tpu.memory_space<semaphore_mem>>)
    %mul3A_40 = arith.constant 5 : i32
    %mul3A_41 = arith.muli %arg1, %mul3A_40 : i32
    %add3A_42 = arith.constant 4 : i32
    %add3A_43 = arith.addi %mul3A_41, %add3A_42 : i32
    %mul3A_44 = arith.constant 128 : i32
    %mul3A_45 = arith.muli %add3A_43, %mul3A_44 : i32
    %dma_start3A_46 = arith.constant 0 : i32
    %dma_start3A_47 = tpu.memref_slice %arg25[%mul3A_45, %dma_start3A_46] : memref<10240x128xf32, #tpu.memory_space<vmem_shared>> -> memref<128x128xf32, #tpu.memory_space<vmem_shared>>
    %dma_start3A_48 = arith.constant 0 : i32
    %dma_start3A_49 = tpu.memref_slice %arg25[%mul3A_45, %dma_start3A_48] : memref<10240x128xf32, #tpu.memory_space<vmem_shared>> -> memref<128x128xf32, #tpu.memory_space<vmem_shared>>
    tpu.enqueue_dma source(%arg13 : memref<128x128xf32, #tpu.memory_space<vmem>>) target(%dma_start3A_49 : memref<128x128xf32, #tpu.memory_space<vmem_shared>>) target_semaphore(%arg21 : memref<!tpu.dma_semaphore, #tpu.memory_space<semaphore_mem>>)
    %dma_wait3A = arith.constant 0 : i32
    %dma_wait3A_50 = tpu.memref_slice %arg25[%mul3A_6, %dma_wait3A] : memref<10240x128xf32, #tpu.memory_space<vmem_shared>> -> memref<128x128xf32, #tpu.memory_space<vmem_shared>>
    %dma_wait3A_51 = arith.constant 0 : i32
    %dma_wait3A_52 = tpu.memref_slice %arg25[%mul3A_6, %dma_wait3A_51] : memref<10240x128xf32, #tpu.memory_space<vmem_shared>> -> memref<128x128xf32, #tpu.memory_space<vmem_shared>>
    tpu.wait_dma2 semaphore(%arg21 : memref<!tpu.dma_semaphore, #tpu.memory_space<semaphore_mem>>) src(%arg13 : memref<128x128xf32, #tpu.memory_space<vmem>>) dst(%dma_wait3A_52 : memref<128x128xf32, #tpu.memory_space<vmem_shared>>)
    %dma_wait3A_53 = arith.constant 0 : i32
    %dma_wait3A_54 = tpu.memref_slice %arg25[%mul3A_15, %dma_wait3A_53] : memref<10240x128xf32, #tpu.memory_space<vmem_shared>> -> memref<128x128xf32, #tpu.memory_space<vmem_shared>>
    %dma_wait3A_55 = arith.constant 0 : i32
    %dma_wait3A_56 = tpu.memref_slice %arg25[%mul3A_15, %dma_wait3A_55] : memref<10240x128xf32, #tpu.memory_space<vmem_shared>> -> memref<128x128xf32, #tpu.memory_space<vmem_shared>>
    tpu.wait_dma2 semaphore(%arg21 : memref<!tpu.dma_semaphore, #tpu.memory_space<semaphore_mem>>) src(%arg13 : memref<128x128xf32, #tpu.memory_space<vmem>>) dst(%dma_wait3A_56 : memref<128x128xf32, #tpu.memory_space<vmem_shared>>)
    %dma_wait3A_57 = arith.constant 0 : i32
    %dma_wait3A_58 = tpu.memref_slice %arg25[%mul3A_25, %dma_wait3A_57] : memref<10240x128xf32, #tpu.memory_space<vmem_shared>> -> memref<128x128xf32, #tpu.memory_space<vmem_shared>>
    %dma_wait3A_59 = arith.constant 0 : i32
    %dma_wait3A_60 = tpu.memref_slice %arg25[%mul3A_25, %dma_wait3A_59] : memref<10240x128xf32, #tpu.memory_space<vmem_shared>> -> memref<128x128xf32, #tpu.memory_space<vmem_shared>>
    tpu.wait_dma2 semaphore(%arg21 : memref<!tpu.dma_semaphore, #tpu.memory_space<semaphore_mem>>) src(%arg13 : memref<128x128xf32, #tpu.memory_space<vmem>>) dst(%dma_wait3A_60 : memref<128x128xf32, #tpu.memory_space<vmem_shared>>)
    %dma_wait3A_61 = arith.constant 0 : i32
    %dma_wait3A_62 = tpu.memref_slice %arg25[%mul3A_35, %dma_wait3A_61] : memref<10240x128xf32, #tpu.memory_space<vmem_shared>> -> memref<128x128xf32, #tpu.memory_space<vmem_shared>>
    %dma_wait3A_63 = arith.constant 0 : i32
    %dma_wait3A_64 = tpu.memref_slice %arg25[%mul3A_35, %dma_wait3A_63] : memref<10240x128xf32, #tpu.memory_space<vmem_shared>> -> memref<128x128xf32, #tpu.memory_space<vmem_shared>>
    tpu.wait_dma2 semaphore(%arg21 : memref<!tpu.dma_semaphore, #tpu.memory_space<semaphore_mem>>) src(%arg13 : memref<128x128xf32, #tpu.memory_space<vmem>>) dst(%dma_wait3A_64 : memref<128x128xf32, #tpu.memory_space<vmem_shared>>)
    %dma_wait3A_65 = arith.constant 0 : i32
    %dma_wait3A_66 = tpu.memref_slice %arg25[%mul3A_45, %dma_wait3A_65] : memref<10240x128xf32, #tpu.memory_space<vmem_shared>> -> memref<128x128xf32, #tpu.memory_space<vmem_shared>>
    %dma_wait3A_67 = arith.constant 0 : i32
    %dma_wait3A_68 = tpu.memref_slice %arg25[%mul3A_45, %dma_wait3A_67] : memref<10240x128xf32, #tpu.memory_space<vmem_shared>> -> memref<128x128xf32, #tpu.memory_space<vmem_shared>>
    tpu.wait_dma2 semaphore(%arg21 : memref<!tpu.dma_semaphore, #tpu.memory_space<semaphore_mem>>) src(%arg13 : memref<128x128xf32, #tpu.memory_space<vmem>>) dst(%dma_wait3A_68 : memref<128x128xf32, #tpu.memory_space<vmem_shared>>)
    %mul3A_69 = arith.constant 640 : i32
    %mul3A_70 = arith.muli %arg1, %mul3A_69 : i32
    "tpu.region"() ({
      %run_scoped3A = tpu.sem_alloc : memref<!tpu.dma_semaphore, #tpu.memory_space<semaphore_mem>>
      %dma_start3A_269 = tpu.memref_slice %arg6[%mul3A_70] : memref<10240xf32, #tpu.memory_space<hbm>> -> memref<640xf32, #tpu.memory_space<hbm>>
      %dma_start3A_270 = tpu.memref_slice %arg6[%mul3A_70] : memref<10240xf32, #tpu.memory_space<hbm>> -> memref<640xf32, #tpu.memory_space<hbm>>
      tpu.enqueue_dma source(%dma_start3A_270 : memref<640xf32, #tpu.memory_space<hbm>>) target(%arg15 : memref<640xf32, #tpu.memory_space<vmem>>) target_semaphore(%run_scoped3A : memref<!tpu.dma_semaphore, #tpu.memory_space<semaphore_mem>>)
      %dma_wait3A_271 = tpu.memref_slice %arg6[%mul3A_70] : memref<10240xf32, #tpu.memory_space<hbm>> -> memref<640xf32, #tpu.memory_space<hbm>>
      %dma_wait3A_272 = tpu.memref_slice %arg6[%mul3A_70] : memref<10240xf32, #tpu.memory_space<hbm>> -> memref<640xf32, #tpu.memory_space<hbm>>
      tpu.wait_dma2 semaphore(%run_scoped3A : memref<!tpu.dma_semaphore, #tpu.memory_space<semaphore_mem>>) src(%dma_wait3A_272 : memref<640xf32, #tpu.memory_space<hbm>>) dst(%arg15 : memref<640xf32, #tpu.memory_space<vmem>>)
      tpu.yield
    }) : () -> ()
    %mul3A_71 = arith.constant 640 : i32
    %mul3A_72 = arith.muli %arg1, %mul3A_71 : i32
    "tpu.region"() ({
      %run_scoped3A = tpu.sem_alloc : memref<!tpu.dma_semaphore, #tpu.memory_space<semaphore_mem>>
      %dma_start3A_269 = tpu.memref_slice %arg26[%mul3A_72] : memref<10240xf32, #tpu.memory_space<vmem_shared>> -> memref<640xf32, #tpu.memory_space<vmem_shared>>
      %dma_start3A_270 = tpu.memref_slice %arg26[%mul3A_72] : memref<10240xf32, #tpu.memory_space<vmem_shared>> -> memref<640xf32, #tpu.memory_space<vmem_shared>>
      tpu.enqueue_dma source(%arg15 : memref<640xf32, #tpu.memory_space<vmem>>) target(%dma_start3A_270 : memref<640xf32, #tpu.memory_space<vmem_shared>>) target_semaphore(%run_scoped3A : memref<!tpu.dma_semaphore, #tpu.memory_space<semaphore_mem>>)
      %dma_wait3A_271 = tpu.memref_slice %arg26[%mul3A_72] : memref<10240xf32, #tpu.memory_space<vmem_shared>> -> memref<640xf32, #tpu.memory_space<vmem_shared>>
      %dma_wait3A_272 = tpu.memref_slice %arg26[%mul3A_72] : memref<10240xf32, #tpu.memory_space<vmem_shared>> -> memref<640xf32, #tpu.memory_space<vmem_shared>>
      tpu.wait_dma2 semaphore(%run_scoped3A : memref<!tpu.dma_semaphore, #tpu.memory_space<semaphore_mem>>) src(%arg15 : memref<640xf32, #tpu.memory_space<vmem>>) dst(%dma_wait3A_272 : memref<640xf32, #tpu.memory_space<vmem_shared>>)
      tpu.yield
    }) : () -> ()
    "tpu.region"() ({
      %run_scoped3A = tpu.sem_alloc : memref<!tpu.dma_semaphore, #tpu.memory_space<semaphore_mem>>
      tpu.enqueue_dma source(%arg7 : memref<128xf32, #tpu.memory_space<hbm>>) target(%arg16 : memref<128xf32, #tpu.memory_space<vmem>>) target_semaphore(%run_scoped3A : memref<!tpu.dma_semaphore, #tpu.memory_space<semaphore_mem>>)
      tpu.wait_dma2 semaphore(%run_scoped3A : memref<!tpu.dma_semaphore, #tpu.memory_space<semaphore_mem>>) src(%arg7 : memref<128xf32, #tpu.memory_space<hbm>>) dst(%arg16 : memref<128xf32, #tpu.memory_space<vmem>>)
      tpu.yield
    }) : () -> ()
    %barrier3A = arith.constant 0 : index
    tpu.barrier barrier_id(%barrier3A)
    %mul3A_73 = arith.constant 10240 : i32
    %mul3A_74 = arith.muli %add3A, %mul3A_73 : i32
    "tpu.region"() ({
      %run_scoped3A = tpu.sem_alloc : memref<!tpu.dma_semaphore, #tpu.memory_space<semaphore_mem>>
      %dma_start3A_269 = tpu.memref_slice %arg3[%mul3A_74] : memref<327808xi32, #tpu.memory_space<hbm>> -> memref<10368xi32, #tpu.memory_space<hbm>>
      %dma_start3A_270 = tpu.memref_slice %arg3[%mul3A_74] : memref<327808xi32, #tpu.memory_space<hbm>> -> memref<10368xi32, #tpu.memory_space<hbm>>
      tpu.enqueue_dma source(%dma_start3A_270 : memref<10368xi32, #tpu.memory_space<hbm>>) target(%arg10 : memref<10368xi32, #tpu.memory_space<vmem>>) target_semaphore(%run_scoped3A : memref<!tpu.dma_semaphore, #tpu.memory_space<semaphore_mem>>)
      %dma_wait3A_271 = tpu.memref_slice %arg3[%mul3A_74] : memref<327808xi32, #tpu.memory_space<hbm>> -> memref<10368xi32, #tpu.memory_space<hbm>>
      %dma_wait3A_272 = tpu.memref_slice %arg3[%mul3A_74] : memref<327808xi32, #tpu.memory_space<hbm>> -> memref<10368xi32, #tpu.memory_space<hbm>>
      tpu.wait_dma2 semaphore(%run_scoped3A : memref<!tpu.dma_semaphore, #tpu.memory_space<semaphore_mem>>) src(%dma_wait3A_272 : memref<10368xi32, #tpu.memory_space<hbm>>) dst(%arg10 : memref<10368xi32, #tpu.memory_space<vmem>>)
      tpu.yield
    }) : () -> ()
    %add3A_75 = arith.constant 0 : i32
    %add3A_76 = arith.addi %mul3A_74, %add3A_75 : i32
    %dma_start3A_77 = tpu.memref_slice %arg4[%add3A_76] : memref<327808xi32, #tpu.memory_space<hbm>> -> memref<128xi32, #tpu.memory_space<hbm>>
    %dma_start3A_78 = tpu.memref_slice %arg4[%add3A_76] : memref<327808xi32, #tpu.memory_space<hbm>> -> memref<128xi32, #tpu.memory_space<hbm>>
    tpu.enqueue_dma source(%dma_start3A_78 : memref<128xi32, #tpu.memory_space<hbm>>) target(%arg11 : memref<128xi32, #tpu.memory_space<vmem>>) target_semaphore(%arg17 : memref<!tpu.dma_semaphore, #tpu.memory_space<semaphore_mem>>)
    %dma_start3A_79 = arith.constant 0 : i32
    %dma_start3A_80 = tpu.memref_slice %arg10[%dma_start3A_79] : memref<10368xi32, #tpu.memory_space<vmem>> -> memref<128xi32, #tpu.memory_space<vmem>>
    %dma_start3A_81 = arith.constant 0 : i32
    %dma_start3A_82 = arith.constant 0 : i32
    %dma_start3A_83 = tpu.memref_slice %arg2[%dma_start3A_81, %dma_start3A_82] : memref<10240x128xf32, #tpu.memory_space<hbm>> -> memref<10240x128xf32, #tpu.memory_space<hbm>>
    tpu.enqueue_indirect_dma source(%dma_start3A_83 : memref<10240x128xf32, #tpu.memory_space<hbm>>) target(%arg13 : memref<128x128xf32, #tpu.memory_space<vmem>>) offsets(%dma_start3A_80 : memref<128xi32, #tpu.memory_space<vmem>>) semaphore(%arg19 : memref<!tpu.dma_semaphore, #tpu.memory_space<semaphore_mem>>)
    %dma_wait3A_84 = arith.constant 0 : i32
    %dma_wait3A_85 = tpu.memref_slice %arg3[%dma_wait3A_84] : memref<327808xi32, #tpu.memory_space<hbm>> -> memref<128xi32, #tpu.memory_space<hbm>>
    %dma_wait3A_86 = arith.constant 0 : i32
    %dma_wait3A_87 = tpu.memref_slice %arg3[%dma_wait3A_86] : memref<327808xi32, #tpu.memory_space<hbm>> -> memref<128xi32, #tpu.memory_space<hbm>>
    tpu.wait_dma2 semaphore(%arg17 : memref<!tpu.dma_semaphore, #tpu.memory_space<semaphore_mem>>) src(%dma_wait3A_87 : memref<128xi32, #tpu.memory_space<hbm>>) dst(%arg11 : memref<128xi32, #tpu.memory_space<vmem>>)
    tpu.wait_dma2 semaphore(%arg19 : memref<!tpu.dma_semaphore, #tpu.memory_space<semaphore_mem>>) src(%arg5 : memref<128x128xf32, #tpu.memory_space<hbm>>) dst(%arg13 : memref<128x128xf32, #tpu.memory_space<vmem>>)
    %add3A_88 = arith.constant 128 : i32
    %add3A_89 = arith.addi %mul3A_74, %add3A_88 : i32
    %dma_start3A_90 = tpu.memref_slice %arg4[%add3A_89] : memref<327808xi32, #tpu.memory_space<hbm>> -> memref<128xi32, #tpu.memory_space<hbm>>
    %dma_start3A_91 = tpu.memref_slice %arg4[%add3A_89] : memref<327808xi32, #tpu.memory_space<hbm>> -> memref<128xi32, #tpu.memory_space<hbm>>
    tpu.enqueue_dma source(%dma_start3A_91 : memref<128xi32, #tpu.memory_space<hbm>>) target(%arg12 : memref<128xi32, #tpu.memory_space<vmem>>) target_semaphore(%arg18 : memref<!tpu.dma_semaphore, #tpu.memory_space<semaphore_mem>>)
    %dma_start3A_92 = arith.constant 128 : i32
    %dma_start3A_93 = tpu.memref_slice %arg10[%dma_start3A_92] : memref<10368xi32, #tpu.memory_space<vmem>> -> memref<128xi32, #tpu.memory_space<vmem>>
    %dma_start3A_94 = arith.constant 0 : i32
    %dma_start3A_95 = arith.constant 0 : i32
    %dma_start3A_96 = tpu.memref_slice %arg2[%dma_start3A_94, %dma_start3A_95] : memref<10240x128xf32, #tpu.memory_space<hbm>> -> memref<10240x128xf32, #tpu.memory_space<hbm>>
    tpu.enqueue_indirect_dma source(%dma_start3A_96 : memref<10240x128xf32, #tpu.memory_space<hbm>>) target(%arg14 : memref<128x128xf32, #tpu.memory_space<vmem>>) offsets(%dma_start3A_93 : memref<128xi32, #tpu.memory_space<vmem>>) semaphore(%arg20 : memref<!tpu.dma_semaphore, #tpu.memory_space<semaphore_mem>>)
    %dma_start3A_97 = arith.constant 0 : i32
    %dma_start3A_98 = arith.constant 0 : i32
    %dma_start3A_99 = tpu.memref_slice %arg25[%dma_start3A_97, %dma_start3A_98] : memref<10240x128xf32, #tpu.memory_space<vmem_shared>> -> memref<10240x128xf32, #tpu.memory_space<vmem_shared>>
    tpu.enqueue_indirect_dma source(%arg13 : memref<128x128xf32, #tpu.memory_space<vmem>>) target(%dma_start3A_99 : memref<10240x128xf32, #tpu.memory_space<vmem_shared>>) offsets(%arg11 : memref<128xi32, #tpu.memory_space<vmem>>) semaphore(%arg21 : memref<!tpu.dma_semaphore, #tpu.memory_space<semaphore_mem>>) {add = true}
    %dma_start3A_100 = arith.constant 0 : i32
    %dma_start3A_101 = tpu.memref_slice %arg26[%dma_start3A_100] : memref<10240xf32, #tpu.memory_space<vmem_shared>> -> memref<10240xf32, #tpu.memory_space<vmem_shared>>
    tpu.enqueue_indirect_dma source(%arg16 : memref<128xf32, #tpu.memory_space<vmem>>) target(%dma_start3A_101 : memref<10240xf32, #tpu.memory_space<vmem_shared>>) offsets(%arg11 : memref<128xi32, #tpu.memory_space<vmem>>) semaphore(%arg23 : memref<!tpu.dma_semaphore, #tpu.memory_space<semaphore_mem>>) {add = true}
    %dma_wait3A_102 = arith.constant 0 : i32
    %dma_wait3A_103 = tpu.memref_slice %arg3[%dma_wait3A_102] : memref<327808xi32, #tpu.memory_space<hbm>> -> memref<128xi32, #tpu.memory_space<hbm>>
    %dma_wait3A_104 = arith.constant 0 : i32
    %dma_wait3A_105 = tpu.memref_slice %arg3[%dma_wait3A_104] : memref<327808xi32, #tpu.memory_space<hbm>> -> memref<128xi32, #tpu.memory_space<hbm>>
    tpu.wait_dma2 semaphore(%arg18 : memref<!tpu.dma_semaphore, #tpu.memory_space<semaphore_mem>>) src(%dma_wait3A_105 : memref<128xi32, #tpu.memory_space<hbm>>) dst(%arg12 : memref<128xi32, #tpu.memory_space<vmem>>)
    tpu.wait_dma2 semaphore(%arg20 : memref<!tpu.dma_semaphore, #tpu.memory_space<semaphore_mem>>) src(%arg5 : memref<128x128xf32, #tpu.memory_space<hbm>>) dst(%arg14 : memref<128x128xf32, #tpu.memory_space<vmem>>)
    %dma_wait3A_106 = arith.constant 0 : i32
    %dma_wait3A_107 = arith.constant 0 : i32
    %dma_wait3A_108 = tpu.memref_slice %arg25[%dma_wait3A_106, %dma_wait3A_107] : memref<10240x128xf32, #tpu.memory_space<vmem_shared>> -> memref<10240x128xf32, #tpu.memory_space<vmem_shared>>
    tpu.wait_indirect_dma semaphore(%arg21 : memref<!tpu.dma_semaphore, #tpu.memory_space<semaphore_mem>>) src(%arg13 : memref<128x128xf32, #tpu.memory_space<vmem>>) dst(%dma_wait3A_108 : memref<10240x128xf32, #tpu.memory_space<vmem_shared>>)
    %dma_wait3A_109 = arith.constant 0 : i32
    %dma_wait3A_110 = tpu.memref_slice %arg26[%dma_wait3A_109] : memref<10240xf32, #tpu.memory_space<vmem_shared>> -> memref<10240xf32, #tpu.memory_space<vmem_shared>>
    tpu.wait_indirect_dma semaphore(%arg23 : memref<!tpu.dma_semaphore, #tpu.memory_space<semaphore_mem>>) src(%arg16 : memref<128xf32, #tpu.memory_space<vmem>>) dst(%dma_wait3A_110 : memref<10240xf32, #tpu.memory_space<vmem_shared>>)
    %add3A_111 = arith.constant 256 : i32
    %add3A_112 = arith.addi %mul3A_74, %add3A_111 : i32
    %dma_start3A_113 = tpu.memref_slice %arg4[%add3A_112] : memref<327808xi32, #tpu.memory_space<hbm>> -> memref<128xi32, #tpu.memory_space<hbm>>
    %dma_start3A_114 = tpu.memref_slice %arg4[%add3A_112] : memref<327808xi32, #tpu.memory_space<hbm>> -> memref<128xi32, #tpu.memory_space<hbm>>
    tpu.enqueue_dma source(%dma_start3A_114 : memref<128xi32, #tpu.memory_space<hbm>>) target(%arg11 : memref<128xi32, #tpu.memory_space<vmem>>) target_semaphore(%arg17 : memref<!tpu.dma_semaphore, #tpu.memory_space<semaphore_mem>>)
    %dma_start3A_115 = arith.constant 256 : i32
    %dma_start3A_116 = tpu.memref_slice %arg10[%dma_start3A_115] : memref<10368xi32, #tpu.memory_space<vmem>> -> memref<128xi32, #tpu.memory_space<vmem>>
    %dma_start3A_117 = arith.constant 0 : i32
    %dma_start3A_118 = arith.constant 0 : i32
    %dma_start3A_119 = tpu.memref_slice %arg2[%dma_start3A_117, %dma_start3A_118] : memref<10240x128xf32, #tpu.memory_space<hbm>> -> memref<10240x128xf32, #tpu.memory_space<hbm>>
    tpu.enqueue_indirect_dma source(%dma_start3A_119 : memref<10240x128xf32, #tpu.memory_space<hbm>>) target(%arg13 : memref<128x128xf32, #tpu.memory_space<vmem>>) offsets(%dma_start3A_116 : memref<128xi32, #tpu.memory_space<vmem>>) semaphore(%arg19 : memref<!tpu.dma_semaphore, #tpu.memory_space<semaphore_mem>>)
    %dma_start3A_120 = arith.constant 0 : i32
    %dma_start3A_121 = arith.constant 0 : i32
    %dma_start3A_122 = tpu.memref_slice %arg25[%dma_start3A_120, %dma_start3A_121] : memref<10240x128xf32, #tpu.memory_space<vmem_shared>> -> memref<10240x128xf32, #tpu.memory_space<vmem_shared>>
    tpu.enqueue_indirect_dma source(%arg14 : memref<128x128xf32, #tpu.memory_space<vmem>>) target(%dma_start3A_122 : memref<10240x128xf32, #tpu.memory_space<vmem_shared>>) offsets(%arg12 : memref<128xi32, #tpu.memory_space<vmem>>) semaphore(%arg22 : memref<!tpu.dma_semaphore, #tpu.memory_space<semaphore_mem>>) {add = true}
    %dma_start3A_123 = arith.constant 0 : i32
    %dma_start3A_124 = tpu.memref_slice %arg26[%dma_start3A_123] : memref<10240xf32, #tpu.memory_space<vmem_shared>> -> memref<10240xf32, #tpu.memory_space<vmem_shared>>
    tpu.enqueue_indirect_dma source(%arg16 : memref<128xf32, #tpu.memory_space<vmem>>) target(%dma_start3A_124 : memref<10240xf32, #tpu.memory_space<vmem_shared>>) offsets(%arg12 : memref<128xi32, #tpu.memory_space<vmem>>) semaphore(%arg24 : memref<!tpu.dma_semaphore, #tpu.memory_space<semaphore_mem>>) {add = true}
    %scan3A = arith.constant 0 : i32
    %scan3A_125 = arith.constant 1 : i32
    %scan3A_126 = arith.constant 39 : i32
    %scan3A_127 = arith.addi %scan3A_125, %scan3A_126 : i32
    %scan3A_128 = arith.constant 1 : i32
    scf.for %scan3A_269 = %scan3A_125 to %scan3A_127 step %scan3A_128  : i32 {
      %dma_wait3A_270 = arith.constant 0 : i32
      %dma_wait3A_271 = tpu.memref_slice %arg3[%dma_wait3A_270] : memref<327808xi32, #tpu.memory_space<hbm>> -> memref<128xi32, #tpu.memory_space<hbm>>
      %dma_wait3A_272 = arith.constant 0 : i32
      %dma_wait3A_273 = tpu.memref_slice %arg3[%dma_wait3A_272] : memref<327808xi32, #tpu.memory_space<hbm>> -> memref<128xi32, #tpu.memory_space<hbm>>
      tpu.wait_dma2 semaphore(%arg17 : memref<!tpu.dma_semaphore, #tpu.memory_space<semaphore_mem>>) src(%dma_wait3A_273 : memref<128xi32, #tpu.memory_space<hbm>>) dst(%arg11 : memref<128xi32, #tpu.memory_space<vmem>>)
      tpu.wait_dma2 semaphore(%arg19 : memref<!tpu.dma_semaphore, #tpu.memory_space<semaphore_mem>>) src(%arg5 : memref<128x128xf32, #tpu.memory_space<hbm>>) dst(%arg13 : memref<128x128xf32, #tpu.memory_space<vmem>>)
      %dma_start3A_274 = arith.constant 0 : i32
      %dma_start3A_275 = arith.constant 0 : i32
      %dma_start3A_276 = tpu.memref_slice %arg25[%dma_start3A_274, %dma_start3A_275] : memref<10240x128xf32, #tpu.memory_space<vmem_shared>> -> memref<10240x128xf32, #tpu.memory_space<vmem_shared>>
      tpu.enqueue_indirect_dma source(%arg13 : memref<128x128xf32, #tpu.memory_space<vmem>>) target(%dma_start3A_276 : memref<10240x128xf32, #tpu.memory_space<vmem_shared>>) offsets(%arg11 : memref<128xi32, #tpu.memory_space<vmem>>) semaphore(%arg21 : memref<!tpu.dma_semaphore, #tpu.memory_space<semaphore_mem>>) {add = true}
      %dma_start3A_277 = arith.constant 0 : i32
      %dma_start3A_278 = tpu.memref_slice %arg26[%dma_start3A_277] : memref<10240xf32, #tpu.memory_space<vmem_shared>> -> memref<10240xf32, #tpu.memory_space<vmem_shared>>
      tpu.enqueue_indirect_dma source(%arg16 : memref<128xf32, #tpu.memory_space<vmem>>) target(%dma_start3A_278 : memref<10240xf32, #tpu.memory_space<vmem_shared>>) offsets(%arg11 : memref<128xi32, #tpu.memory_space<vmem>>) semaphore(%arg23 : memref<!tpu.dma_semaphore, #tpu.memory_space<semaphore_mem>>) {add = true}
      tpu.wait_dma2 semaphore(%arg22 : memref<!tpu.dma_semaphore, #tpu.memory_space<semaphore_mem>>) src(%arg5 : memref<128x128xf32, #tpu.memory_space<hbm>>) dst(%arg14 : memref<128x128xf32, #tpu.memory_space<vmem>>)
      tpu.wait_dma2 semaphore(%arg24 : memref<!tpu.dma_semaphore, #tpu.memory_space<semaphore_mem>>) src(%arg7 : memref<128xf32, #tpu.memory_space<hbm>>) dst(%arg16 : memref<128xf32, #tpu.memory_space<vmem>>)
      %mul3A_279 = arith.constant 2 : i32
      %mul3A_280 = arith.muli %mul3A_279, %scan3A_269 : i32
      %add3A_281 = arith.constant 1 : i32
      %add3A_282 = arith.addi %mul3A_280, %add3A_281 : i32
      %mul3A_283 = arith.constant 128 : i32
      %mul3A_284 = arith.muli %add3A_282, %mul3A_283 : i32
      %add3A_285 = arith.addi %mul3A_74, %mul3A_284 : i32
      %dma_start3A_286 = tpu.memref_slice %arg4[%add3A_285] : memref<327808xi32, #tpu.memory_space<hbm>> -> memref<128xi32, #tpu.memory_space<hbm>>
      %dma_start3A_287 = tpu.memref_slice %arg4[%add3A_285] : memref<327808xi32, #tpu.memory_space<hbm>> -> memref<128xi32, #tpu.memory_space<hbm>>
      tpu.enqueue_dma source(%dma_start3A_287 : memref<128xi32, #tpu.memory_space<hbm>>) target(%arg12 : memref<128xi32, #tpu.memory_space<vmem>>) target_semaphore(%arg18 : memref<!tpu.dma_semaphore, #tpu.memory_space<semaphore_mem>>)
      %mul3A_288 = arith.constant 128 : i32
      %mul3A_289 = arith.muli %add3A_282, %mul3A_288 : i32
      %dma_start3A_290 = tpu.memref_slice %arg10[%mul3A_289] : memref<10368xi32, #tpu.memory_space<vmem>> -> memref<128xi32, #tpu.memory_space<vmem>>
      %dma_start3A_291 = arith.constant 0 : i32
      %dma_start3A_292 = arith.constant 0 : i32
      %dma_start3A_293 = tpu.memref_slice %arg2[%dma_start3A_291, %dma_start3A_292] : memref<10240x128xf32, #tpu.memory_space<hbm>> -> memref<10240x128xf32, #tpu.memory_space<hbm>>
      tpu.enqueue_indirect_dma source(%dma_start3A_293 : memref<10240x128xf32, #tpu.memory_space<hbm>>) target(%arg14 : memref<128x128xf32, #tpu.memory_space<vmem>>) offsets(%dma_start3A_290 : memref<128xi32, #tpu.memory_space<vmem>>) semaphore(%arg20 : memref<!tpu.dma_semaphore, #tpu.memory_space<semaphore_mem>>)
      %dma_wait3A_294 = arith.constant 0 : i32
      %dma_wait3A_295 = tpu.memref_slice %arg3[%dma_wait3A_294] : memref<327808xi32, #tpu.memory_space<hbm>> -> memref<128xi32, #tpu.memory_space<hbm>>
      %dma_wait3A_296 = arith.constant 0 : i32
      %dma_wait3A_297 = tpu.memref_slice %arg3[%dma_wait3A_296] : memref<327808xi32, #tpu.memory_space<hbm>> -> memref<128xi32, #tpu.memory_space<hbm>>
      tpu.wait_dma2 semaphore(%arg18 : memref<!tpu.dma_semaphore, #tpu.memory_space<semaphore_mem>>) src(%dma_wait3A_297 : memref<128xi32, #tpu.memory_space<hbm>>) dst(%arg12 : memref<128xi32, #tpu.memory_space<vmem>>)
      tpu.wait_dma2 semaphore(%arg20 : memref<!tpu.dma_semaphore, #tpu.memory_space<semaphore_mem>>) src(%arg5 : memref<128x128xf32, #tpu.memory_space<hbm>>) dst(%arg14 : memref<128x128xf32, #tpu.memory_space<vmem>>)
      tpu.wait_dma2 semaphore(%arg21 : memref<!tpu.dma_semaphore, #tpu.memory_space<semaphore_mem>>) src(%arg5 : memref<128x128xf32, #tpu.memory_space<hbm>>) dst(%arg13 : memref<128x128xf32, #tpu.memory_space<vmem>>)
      tpu.wait_dma2 semaphore(%arg23 : memref<!tpu.dma_semaphore, #tpu.memory_space<semaphore_mem>>) src(%arg7 : memref<128xf32, #tpu.memory_space<hbm>>) dst(%arg16 : memref<128xf32, #tpu.memory_space<vmem>>)
      %mul3A_298 = arith.constant 2 : i32
      %mul3A_299 = arith.muli %mul3A_298, %scan3A_269 : i32
      %add3A_300 = arith.constant 2 : i32
      %add3A_301 = arith.addi %mul3A_299, %add3A_300 : i32
      %mul3A_302 = arith.constant 128 : i32
      %mul3A_303 = arith.muli %add3A_301, %mul3A_302 : i32
      %add3A_304 = arith.addi %mul3A_74, %mul3A_303 : i32
      %dma_start3A_305 = tpu.memref_slice %arg4[%add3A_304] : memref<327808xi32, #tpu.memory_space<hbm>> -> memref<128xi32, #tpu.memory_space<hbm>>
      %dma_start3A_306 = tpu.memref_slice %arg4[%add3A_304] : memref<327808xi32, #tpu.memory_space<hbm>> -> memref<128xi32, #tpu.memory_space<hbm>>
      tpu.enqueue_dma source(%dma_start3A_306 : memref<128xi32, #tpu.memory_space<hbm>>) target(%arg11 : memref<128xi32, #tpu.memory_space<vmem>>) target_semaphore(%arg17 : memref<!tpu.dma_semaphore, #tpu.memory_space<semaphore_mem>>)
      %mul3A_307 = arith.constant 128 : i32
      %mul3A_308 = arith.muli %add3A_301, %mul3A_307 : i32
      %dma_start3A_309 = tpu.memref_slice %arg10[%mul3A_308] : memref<10368xi32, #tpu.memory_space<vmem>> -> memref<128xi32, #tpu.memory_space<vmem>>
      %dma_start3A_310 = arith.constant 0 : i32
      %dma_start3A_311 = arith.constant 0 : i32
      %dma_start3A_312 = tpu.memref_slice %arg2[%dma_start3A_310, %dma_start3A_311] : memref<10240x128xf32, #tpu.memory_space<hbm>> -> memref<10240x128xf32, #tpu.memory_space<hbm>>
      tpu.enqueue_indirect_dma source(%dma_start3A_312 : memref<10240x128xf32, #tpu.memory_space<hbm>>) target(%arg13 : memref<128x128xf32, #tpu.memory_space<vmem>>) offsets(%dma_start3A_309 : memref<128xi32, #tpu.memory_space<vmem>>) semaphore(%arg19 : memref<!tpu.dma_semaphore, #tpu.memory_space<semaphore_mem>>)
      %dma_start3A_313 = arith.constant 0 : i32
      %dma_start3A_314 = arith.constant 0 : i32
      %dma_start3A_315 = tpu.memref_slice %arg25[%dma_start3A_313, %dma_start3A_314] : memref<10240x128xf32, #tpu.memory_space<vmem_shared>> -> memref<10240x128xf32, #tpu.memory_space<vmem_shared>>
      tpu.enqueue_indirect_dma source(%arg14 : memref<128x128xf32, #tpu.memory_space<vmem>>) target(%dma_start3A_315 : memref<10240x128xf32, #tpu.memory_space<vmem_shared>>) offsets(%arg12 : memref<128xi32, #tpu.memory_space<vmem>>) semaphore(%arg22 : memref<!tpu.dma_semaphore, #tpu.memory_space<semaphore_mem>>) {add = true}
      %dma_start3A_316 = arith.constant 0 : i32
      %dma_start3A_317 = tpu.memref_slice %arg26[%dma_start3A_316] : memref<10240xf32, #tpu.memory_space<vmem_shared>> -> memref<10240xf32, #tpu.memory_space<vmem_shared>>
      tpu.enqueue_indirect_dma source(%arg16 : memref<128xf32, #tpu.memory_space<vmem>>) target(%dma_start3A_317 : memref<10240xf32, #tpu.memory_space<vmem_shared>>) offsets(%arg12 : memref<128xi32, #tpu.memory_space<vmem>>) semaphore(%arg24 : memref<!tpu.dma_semaphore, #tpu.memory_space<semaphore_mem>>) {add = true}
    }
    %scan3A_129 = arith.constant 39 : i32
    %dma_wait3A_130 = arith.constant 0 : i32
    %dma_wait3A_131 = tpu.memref_slice %arg3[%dma_wait3A_130] : memref<327808xi32, #tpu.memory_space<hbm>> -> memref<128xi32, #tpu.memory_space<hbm>>
    %dma_wait3A_132 = arith.constant 0 : i32
    %dma_wait3A_133 = tpu.memref_slice %arg3[%dma_wait3A_132] : memref<327808xi32, #tpu.memory_space<hbm>> -> memref<128xi32, #tpu.memory_space<hbm>>
    tpu.wait_dma2 semaphore(%arg17 : memref<!tpu.dma_semaphore, #tpu.memory_space<semaphore_mem>>) src(%dma_wait3A_133 : memref<128xi32, #tpu.memory_space<hbm>>) dst(%arg11 : memref<128xi32, #tpu.memory_space<vmem>>)
    tpu.wait_dma2 semaphore(%arg19 : memref<!tpu.dma_semaphore, #tpu.memory_space<semaphore_mem>>) src(%arg5 : memref<128x128xf32, #tpu.memory_space<hbm>>) dst(%arg13 : memref<128x128xf32, #tpu.memory_space<vmem>>)
    tpu.wait_dma2 semaphore(%arg22 : memref<!tpu.dma_semaphore, #tpu.memory_space<semaphore_mem>>) src(%arg5 : memref<128x128xf32, #tpu.memory_space<hbm>>) dst(%arg14 : memref<128x128xf32, #tpu.memory_space<vmem>>)
    tpu.wait_dma2 semaphore(%arg24 : memref<!tpu.dma_semaphore, #tpu.memory_space<semaphore_mem>>) src(%arg7 : memref<128xf32, #tpu.memory_space<hbm>>) dst(%arg16 : memref<128xf32, #tpu.memory_space<vmem>>)
    %barrier3A_134 = arith.constant 0 : index
    tpu.barrier barrier_id(%barrier3A_134)
    %mul3A_135 = arith.constant 5 : i32
    %mul3A_136 = arith.muli %arg1, %mul3A_135 : i32
    %add3A_137 = arith.constant 0 : i32
    %add3A_138 = arith.addi %mul3A_136, %add3A_137 : i32
    %mul3A_139 = arith.constant 128 : i32
    %mul3A_140 = arith.muli %add3A_138, %mul3A_139 : i32
    %dma_start3A_141 = arith.constant 0 : i32
    %dma_start3A_142 = tpu.memref_slice %arg25[%mul3A_140, %dma_start3A_141] : memref<10240x128xf32, #tpu.memory_space<vmem_shared>> -> memref<128x128xf32, #tpu.memory_space<vmem_shared>>
    %dma_start3A_143 = arith.constant 0 : i32
    %dma_start3A_144 = tpu.memref_slice %arg25[%mul3A_140, %dma_start3A_143] : memref<10240x128xf32, #tpu.memory_space<vmem_shared>> -> memref<128x128xf32, #tpu.memory_space<vmem_shared>>
    tpu.enqueue_dma source(%dma_start3A_144 : memref<128x128xf32, #tpu.memory_space<vmem_shared>>) target(%arg13 : memref<128x128xf32, #tpu.memory_space<vmem>>) target_semaphore(%arg19 : memref<!tpu.dma_semaphore, #tpu.memory_space<semaphore_mem>>)
    %dma_wait3A_145 = arith.constant 0 : i32
    %dma_wait3A_146 = tpu.memref_slice %arg25[%mul3A_140, %dma_wait3A_145] : memref<10240x128xf32, #tpu.memory_space<vmem_shared>> -> memref<128x128xf32, #tpu.memory_space<vmem_shared>>
    %dma_wait3A_147 = arith.constant 0 : i32
    %dma_wait3A_148 = tpu.memref_slice %arg25[%mul3A_140, %dma_wait3A_147] : memref<10240x128xf32, #tpu.memory_space<vmem_shared>> -> memref<128x128xf32, #tpu.memory_space<vmem_shared>>
    tpu.wait_dma2 semaphore(%arg19 : memref<!tpu.dma_semaphore, #tpu.memory_space<semaphore_mem>>) src(%dma_wait3A_148 : memref<128x128xf32, #tpu.memory_space<vmem_shared>>) dst(%arg13 : memref<128x128xf32, #tpu.memory_space<vmem>>)
    %dma_start3A_149 = arith.constant 0 : i32
    %dma_start3A_150 = tpu.memref_slice %arg8[%arg0, %mul3A_140, %dma_start3A_149] : memref<2x10240x128xf32, #tpu.memory_space<hbm>> -> memref<1x128x128xf32, #tpu.memory_space<hbm>>
    %dma_start3A_151 = tpu.memref_squeeze %dma_start3A_150 : memref<1x128x128xf32, #tpu.memory_space<hbm>> -> memref<128x128xf32, #tpu.memory_space<hbm>>
    %dma_start3A_152 = arith.constant 0 : i32
    %dma_start3A_153 = tpu.memref_slice %arg8[%arg0, %mul3A_140, %dma_start3A_152] : memref<2x10240x128xf32, #tpu.memory_space<hbm>> -> memref<1x128x128xf32, #tpu.memory_space<hbm>>
    %dma_start3A_154 = tpu.memref_squeeze %dma_start3A_153 : memref<1x128x128xf32, #tpu.memory_space<hbm>> -> memref<128x128xf32, #tpu.memory_space<hbm>>
    tpu.enqueue_dma source(%arg13 : memref<128x128xf32, #tpu.memory_space<vmem>>) target(%dma_start3A_154 : memref<128x128xf32, #tpu.memory_space<hbm>>) target_semaphore(%arg21 : memref<!tpu.dma_semaphore, #tpu.memory_space<semaphore_mem>>)
    %mul3A_155 = arith.constant 5 : i32
    %mul3A_156 = arith.muli %arg1, %mul3A_155 : i32
    %add3A_157 = arith.constant 1 : i32
    %add3A_158 = arith.addi %mul3A_156, %add3A_157 : i32
    %mul3A_159 = arith.constant 128 : i32
    %mul3A_160 = arith.muli %add3A_158, %mul3A_159 : i32
    %dma_start3A_161 = arith.constant 0 : i32
    %dma_start3A_162 = tpu.memref_slice %arg25[%mul3A_160, %dma_start3A_161] : memref<10240x128xf32, #tpu.memory_space<vmem_shared>> -> memref<128x128xf32, #tpu.memory_space<vmem_shared>>
    %dma_start3A_163 = arith.constant 0 : i32
    %dma_start3A_164 = tpu.memref_slice %arg25[%mul3A_160, %dma_start3A_163] : memref<10240x128xf32, #tpu.memory_space<vmem_shared>> -> memref<128x128xf32, #tpu.memory_space<vmem_shared>>
    tpu.enqueue_dma source(%dma_start3A_164 : memref<128x128xf32, #tpu.memory_space<vmem_shared>>) target(%arg14 : memref<128x128xf32, #tpu.memory_space<vmem>>) target_semaphore(%arg20 : memref<!tpu.dma_semaphore, #tpu.memory_space<semaphore_mem>>)
    %dma_wait3A_165 = arith.constant 0 : i32
    %dma_wait3A_166 = tpu.memref_slice %arg25[%mul3A_160, %dma_wait3A_165] : memref<10240x128xf32, #tpu.memory_space<vmem_shared>> -> memref<128x128xf32, #tpu.memory_space<vmem_shared>>
    %dma_wait3A_167 = arith.constant 0 : i32
    %dma_wait3A_168 = tpu.memref_slice %arg25[%mul3A_160, %dma_wait3A_167] : memref<10240x128xf32, #tpu.memory_space<vmem_shared>> -> memref<128x128xf32, #tpu.memory_space<vmem_shared>>
    tpu.wait_dma2 semaphore(%arg20 : memref<!tpu.dma_semaphore, #tpu.memory_space<semaphore_mem>>) src(%dma_wait3A_168 : memref<128x128xf32, #tpu.memory_space<vmem_shared>>) dst(%arg14 : memref<128x128xf32, #tpu.memory_space<vmem>>)
    %dma_start3A_169 = arith.constant 0 : i32
    %dma_start3A_170 = tpu.memref_slice %arg8[%arg0, %mul3A_160, %dma_start3A_169] : memref<2x10240x128xf32, #tpu.memory_space<hbm>> -> memref<1x128x128xf32, #tpu.memory_space<hbm>>
    %dma_start3A_171 = tpu.memref_squeeze %dma_start3A_170 : memref<1x128x128xf32, #tpu.memory_space<hbm>> -> memref<128x128xf32, #tpu.memory_space<hbm>>
    %dma_start3A_172 = arith.constant 0 : i32
    %dma_start3A_173 = tpu.memref_slice %arg8[%arg0, %mul3A_160, %dma_start3A_172] : memref<2x10240x128xf32, #tpu.memory_space<hbm>> -> memref<1x128x128xf32, #tpu.memory_space<hbm>>
    %dma_start3A_174 = tpu.memref_squeeze %dma_start3A_173 : memref<1x128x128xf32, #tpu.memory_space<hbm>> -> memref<128x128xf32, #tpu.memory_space<hbm>>
    tpu.enqueue_dma source(%arg14 : memref<128x128xf32, #tpu.memory_space<vmem>>) target(%dma_start3A_174 : memref<128x128xf32, #tpu.memory_space<hbm>>) target_semaphore(%arg22 : memref<!tpu.dma_semaphore, #tpu.memory_space<semaphore_mem>>)
    %dma_wait3A_175 = arith.constant 0 : i32
    %dma_wait3A_176 = tpu.memref_slice %arg8[%arg0, %mul3A_140, %dma_wait3A_175] : memref<2x10240x128xf32, #tpu.memory_space<hbm>> -> memref<1x128x128xf32, #tpu.memory_space<hbm>>
    %dma_wait3A_177 = tpu.memref_squeeze %dma_wait3A_176 : memref<1x128x128xf32, #tpu.memory_space<hbm>> -> memref<128x128xf32, #tpu.memory_space<hbm>>
    %dma_wait3A_178 = arith.constant 0 : i32
    %dma_wait3A_179 = tpu.memref_slice %arg8[%arg0, %mul3A_140, %dma_wait3A_178] : memref<2x10240x128xf32, #tpu.memory_space<hbm>> -> memref<1x128x128xf32, #tpu.memory_space<hbm>>
    %dma_wait3A_180 = tpu.memref_squeeze %dma_wait3A_179 : memref<1x128x128xf32, #tpu.memory_space<hbm>> -> memref<128x128xf32, #tpu.memory_space<hbm>>
    tpu.wait_dma2 semaphore(%arg21 : memref<!tpu.dma_semaphore, #tpu.memory_space<semaphore_mem>>) src(%arg13 : memref<128x128xf32, #tpu.memory_space<vmem>>) dst(%dma_wait3A_180 : memref<128x128xf32, #tpu.memory_space<hbm>>)
    %mul3A_181 = arith.constant 5 : i32
    %mul3A_182 = arith.muli %arg1, %mul3A_181 : i32
    %add3A_183 = arith.constant 2 : i32
    %add3A_184 = arith.addi %mul3A_182, %add3A_183 : i32
    %mul3A_185 = arith.constant 128 : i32
    %mul3A_186 = arith.muli %add3A_184, %mul3A_185 : i32
    %dma_start3A_187 = arith.constant 0 : i32
    %dma_start3A_188 = tpu.memref_slice %arg25[%mul3A_186, %dma_start3A_187] : memref<10240x128xf32, #tpu.memory_space<vmem_shared>> -> memref<128x128xf32, #tpu.memory_space<vmem_shared>>
    %dma_start3A_189 = arith.constant 0 : i32
    %dma_start3A_190 = tpu.memref_slice %arg25[%mul3A_186, %dma_start3A_189] : memref<10240x128xf32, #tpu.memory_space<vmem_shared>> -> memref<128x128xf32, #tpu.memory_space<vmem_shared>>
    tpu.enqueue_dma source(%dma_start3A_190 : memref<128x128xf32, #tpu.memory_space<vmem_shared>>) target(%arg13 : memref<128x128xf32, #tpu.memory_space<vmem>>) target_semaphore(%arg19 : memref<!tpu.dma_semaphore, #tpu.memory_space<semaphore_mem>>)
    %dma_wait3A_191 = arith.constant 0 : i32
    %dma_wait3A_192 = tpu.memref_slice %arg25[%mul3A_186, %dma_wait3A_191] : memref<10240x128xf32, #tpu.memory_space<vmem_shared>> -> memref<128x128xf32, #tpu.memory_space<vmem_shared>>
    %dma_wait3A_193 = arith.constant 0 : i32
    %dma_wait3A_194 = tpu.memref_slice %arg25[%mul3A_186, %dma_wait3A_193] : memref<10240x128xf32, #tpu.memory_space<vmem_shared>> -> memref<128x128xf32, #tpu.memory_space<vmem_shared>>
    tpu.wait_dma2 semaphore(%arg19 : memref<!tpu.dma_semaphore, #tpu.memory_space<semaphore_mem>>) src(%dma_wait3A_194 : memref<128x128xf32, #tpu.memory_space<vmem_shared>>) dst(%arg13 : memref<128x128xf32, #tpu.memory_space<vmem>>)
    %dma_start3A_195 = arith.constant 0 : i32
    %dma_start3A_196 = tpu.memref_slice %arg8[%arg0, %mul3A_186, %dma_start3A_195] : memref<2x10240x128xf32, #tpu.memory_space<hbm>> -> memref<1x128x128xf32, #tpu.memory_space<hbm>>
    %dma_start3A_197 = tpu.memref_squeeze %dma_start3A_196 : memref<1x128x128xf32, #tpu.memory_space<hbm>> -> memref<128x128xf32, #tpu.memory_space<hbm>>
    %dma_start3A_198 = arith.constant 0 : i32
    %dma_start3A_199 = tpu.memref_slice %arg8[%arg0, %mul3A_186, %dma_start3A_198] : memref<2x10240x128xf32, #tpu.memory_space<hbm>> -> memref<1x128x128xf32, #tpu.memory_space<hbm>>
    %dma_start3A_200 = tpu.memref_squeeze %dma_start3A_199 : memref<1x128x128xf32, #tpu.memory_space<hbm>> -> memref<128x128xf32, #tpu.memory_space<hbm>>
    tpu.enqueue_dma source(%arg13 : memref<128x128xf32, #tpu.memory_space<vmem>>) target(%dma_start3A_200 : memref<128x128xf32, #tpu.memory_space<hbm>>) target_semaphore(%arg21 : memref<!tpu.dma_semaphore, #tpu.memory_space<semaphore_mem>>)
    %dma_wait3A_201 = arith.constant 0 : i32
    %dma_wait3A_202 = tpu.memref_slice %arg8[%arg0, %mul3A_160, %dma_wait3A_201] : memref<2x10240x128xf32, #tpu.memory_space<hbm>> -> memref<1x128x128xf32, #tpu.memory_space<hbm>>
    %dma_wait3A_203 = tpu.memref_squeeze %dma_wait3A_202 : memref<1x128x128xf32, #tpu.memory_space<hbm>> -> memref<128x128xf32, #tpu.memory_space<hbm>>
    %dma_wait3A_204 = arith.constant 0 : i32
    %dma_wait3A_205 = tpu.memref_slice %arg8[%arg0, %mul3A_160, %dma_wait3A_204] : memref<2x10240x128xf32, #tpu.memory_space<hbm>> -> memref<1x128x128xf32, #tpu.memory_space<hbm>>
    %dma_wait3A_206 = tpu.memref_squeeze %dma_wait3A_205 : memref<1x128x128xf32, #tpu.memory_space<hbm>> -> memref<128x128xf32, #tpu.memory_space<hbm>>
    tpu.wait_dma2 semaphore(%arg22 : memref<!tpu.dma_semaphore, #tpu.memory_space<semaphore_mem>>) src(%arg14 : memref<128x128xf32, #tpu.memory_space<vmem>>) dst(%dma_wait3A_206 : memref<128x128xf32, #tpu.memory_space<hbm>>)
    %mul3A_207 = arith.constant 5 : i32
    %mul3A_208 = arith.muli %arg1, %mul3A_207 : i32
    %add3A_209 = arith.constant 3 : i32
    %add3A_210 = arith.addi %mul3A_208, %add3A_209 : i32
    %mul3A_211 = arith.constant 128 : i32
    %mul3A_212 = arith.muli %add3A_210, %mul3A_211 : i32
    %dma_start3A_213 = arith.constant 0 : i32
    %dma_start3A_214 = tpu.memref_slice %arg25[%mul3A_212, %dma_start3A_213] : memref<10240x128xf32, #tpu.memory_space<vmem_shared>> -> memref<128x128xf32, #tpu.memory_space<vmem_shared>>
    %dma_start3A_215 = arith.constant 0 : i32
    %dma_start3A_216 = tpu.memref_slice %arg25[%mul3A_212, %dma_start3A_215] : memref<10240x128xf32, #tpu.memory_space<vmem_shared>> -> memref<128x128xf32, #tpu.memory_space<vmem_shared>>
    tpu.enqueue_dma source(%dma_start3A_216 : memref<128x128xf32, #tpu.memory_space<vmem_shared>>) target(%arg14 : memref<128x128xf32, #tpu.memory_space<vmem>>) target_semaphore(%arg20 : memref<!tpu.dma_semaphore, #tpu.memory_space<semaphore_mem>>)
    %dma_wait3A_217 = arith.constant 0 : i32
    %dma_wait3A_218 = tpu.memref_slice %arg25[%mul3A_212, %dma_wait3A_217] : memref<10240x128xf32, #tpu.memory_space<vmem_shared>> -> memref<128x128xf32, #tpu.memory_space<vmem_shared>>
    %dma_wait3A_219 = arith.constant 0 : i32
    %dma_wait3A_220 = tpu.memref_slice %arg25[%mul3A_212, %dma_wait3A_219] : memref<10240x128xf32, #tpu.memory_space<vmem_shared>> -> memref<128x128xf32, #tpu.memory_space<vmem_shared>>
    tpu.wait_dma2 semaphore(%arg20 : memref<!tpu.dma_semaphore, #tpu.memory_space<semaphore_mem>>) src(%dma_wait3A_220 : memref<128x128xf32, #tpu.memory_space<vmem_shared>>) dst(%arg14 : memref<128x128xf32, #tpu.memory_space<vmem>>)
    %dma_start3A_221 = arith.constant 0 : i32
    %dma_start3A_222 = tpu.memref_slice %arg8[%arg0, %mul3A_212, %dma_start3A_221] : memref<2x10240x128xf32, #tpu.memory_space<hbm>> -> memref<1x128x128xf32, #tpu.memory_space<hbm>>
    %dma_start3A_223 = tpu.memref_squeeze %dma_start3A_222 : memref<1x128x128xf32, #tpu.memory_space<hbm>> -> memref<128x128xf32, #tpu.memory_space<hbm>>
    %dma_start3A_224 = arith.constant 0 : i32
    %dma_start3A_225 = tpu.memref_slice %arg8[%arg0, %mul3A_212, %dma_start3A_224] : memref<2x10240x128xf32, #tpu.memory_space<hbm>> -> memref<1x128x128xf32, #tpu.memory_space<hbm>>
    %dma_start3A_226 = tpu.memref_squeeze %dma_start3A_225 : memref<1x128x128xf32, #tpu.memory_space<hbm>> -> memref<128x128xf32, #tpu.memory_space<hbm>>
    tpu.enqueue_dma source(%arg14 : memref<128x128xf32, #tpu.memory_space<vmem>>) target(%dma_start3A_226 : memref<128x128xf32, #tpu.memory_space<hbm>>) target_semaphore(%arg22 : memref<!tpu.dma_semaphore, #tpu.memory_space<semaphore_mem>>)
    %dma_wait3A_227 = arith.constant 0 : i32
    %dma_wait3A_228 = tpu.memref_slice %arg8[%arg0, %mul3A_186, %dma_wait3A_227] : memref<2x10240x128xf32, #tpu.memory_space<hbm>> -> memref<1x128x128xf32, #tpu.memory_space<hbm>>
    %dma_wait3A_229 = tpu.memref_squeeze %dma_wait3A_228 : memref<1x128x128xf32, #tpu.memory_space<hbm>> -> memref<128x128xf32, #tpu.memory_space<hbm>>
    %dma_wait3A_230 = arith.constant 0 : i32
    %dma_wait3A_231 = tpu.memref_slice %arg8[%arg0, %mul3A_186, %dma_wait3A_230] : memref<2x10240x128xf32, #tpu.memory_space<hbm>> -> memref<1x128x128xf32, #tpu.memory_space<hbm>>
    %dma_wait3A_232 = tpu.memref_squeeze %dma_wait3A_231 : memref<1x128x128xf32, #tpu.memory_space<hbm>> -> memref<128x128xf32, #tpu.memory_space<hbm>>
    tpu.wait_dma2 semaphore(%arg21 : memref<!tpu.dma_semaphore, #tpu.memory_space<semaphore_mem>>) src(%arg13 : memref<128x128xf32, #tpu.memory_space<vmem>>) dst(%dma_wait3A_232 : memref<128x128xf32, #tpu.memory_space<hbm>>)
    %mul3A_233 = arith.constant 5 : i32
    %mul3A_234 = arith.muli %arg1, %mul3A_233 : i32
    %add3A_235 = arith.constant 4 : i32
    %add3A_236 = arith.addi %mul3A_234, %add3A_235 : i32
    %mul3A_237 = arith.constant 128 : i32
    %mul3A_238 = arith.muli %add3A_236, %mul3A_237 : i32
    %dma_start3A_239 = arith.constant 0 : i32
    %dma_start3A_240 = tpu.memref_slice %arg25[%mul3A_238, %dma_start3A_239] : memref<10240x128xf32, #tpu.memory_space<vmem_shared>> -> memref<128x128xf32, #tpu.memory_space<vmem_shared>>
    %dma_start3A_241 = arith.constant 0 : i32
    %dma_start3A_242 = tpu.memref_slice %arg25[%mul3A_238, %dma_start3A_241] : memref<10240x128xf32, #tpu.memory_space<vmem_shared>> -> memref<128x128xf32, #tpu.memory_space<vmem_shared>>
    tpu.enqueue_dma source(%dma_start3A_242 : memref<128x128xf32, #tpu.memory_space<vmem_shared>>) target(%arg13 : memref<128x128xf32, #tpu.memory_space<vmem>>) target_semaphore(%arg19 : memref<!tpu.dma_semaphore, #tpu.memory_space<semaphore_mem>>)
    %dma_wait3A_243 = arith.constant 0 : i32
    %dma_wait3A_244 = tpu.memref_slice %arg25[%mul3A_238, %dma_wait3A_243] : memref<10240x128xf32, #tpu.memory_space<vmem_shared>> -> memref<128x128xf32, #tpu.memory_space<vmem_shared>>
    %dma_wait3A_245 = arith.constant 0 : i32
    %dma_wait3A_246 = tpu.memref_slice %arg25[%mul3A_238, %dma_wait3A_245] : memref<10240x128xf32, #tpu.memory_space<vmem_shared>> -> memref<128x128xf32, #tpu.memory_space<vmem_shared>>
    tpu.wait_dma2 semaphore(%arg19 : memref<!tpu.dma_semaphore, #tpu.memory_space<semaphore_mem>>) src(%dma_wait3A_246 : memref<128x128xf32, #tpu.memory_space<vmem_shared>>) dst(%arg13 : memref<128x128xf32, #tpu.memory_space<vmem>>)
    %dma_start3A_247 = arith.constant 0 : i32
    %dma_start3A_248 = tpu.memref_slice %arg8[%arg0, %mul3A_238, %dma_start3A_247] : memref<2x10240x128xf32, #tpu.memory_space<hbm>> -> memref<1x128x128xf32, #tpu.memory_space<hbm>>
    %dma_start3A_249 = tpu.memref_squeeze %dma_start3A_248 : memref<1x128x128xf32, #tpu.memory_space<hbm>> -> memref<128x128xf32, #tpu.memory_space<hbm>>
    %dma_start3A_250 = arith.constant 0 : i32
    %dma_start3A_251 = tpu.memref_slice %arg8[%arg0, %mul3A_238, %dma_start3A_250] : memref<2x10240x128xf32, #tpu.memory_space<hbm>> -> memref<1x128x128xf32, #tpu.memory_space<hbm>>
    %dma_start3A_252 = tpu.memref_squeeze %dma_start3A_251 : memref<1x128x128xf32, #tpu.memory_space<hbm>> -> memref<128x128xf32, #tpu.memory_space<hbm>>
    tpu.enqueue_dma source(%arg13 : memref<128x128xf32, #tpu.memory_space<vmem>>) target(%dma_start3A_252 : memref<128x128xf32, #tpu.memory_space<hbm>>) target_semaphore(%arg21 : memref<!tpu.dma_semaphore, #tpu.memory_space<semaphore_mem>>)
    %dma_wait3A_253 = arith.constant 0 : i32
    %dma_wait3A_254 = tpu.memref_slice %arg8[%arg0, %mul3A_238, %dma_wait3A_253] : memref<2x10240x128xf32, #tpu.memory_space<hbm>> -> memref<1x128x128xf32, #tpu.memory_space<hbm>>
    %dma_wait3A_255 = tpu.memref_squeeze %dma_wait3A_254 : memref<1x128x128xf32, #tpu.memory_space<hbm>> -> memref<128x128xf32, #tpu.memory_space<hbm>>
    %dma_wait3A_256 = arith.constant 0 : i32
    %dma_wait3A_257 = tpu.memref_slice %arg8[%arg0, %mul3A_238, %dma_wait3A_256] : memref<2x10240x128xf32, #tpu.memory_space<hbm>> -> memref<1x128x128xf32, #tpu.memory_space<hbm>>
    %dma_wait3A_258 = tpu.memref_squeeze %dma_wait3A_257 : memref<1x128x128xf32, #tpu.memory_space<hbm>> -> memref<128x128xf32, #tpu.memory_space<hbm>>
    tpu.wait_dma2 semaphore(%arg21 : memref<!tpu.dma_semaphore, #tpu.memory_space<semaphore_mem>>) src(%arg13 : memref<128x128xf32, #tpu.memory_space<vmem>>) dst(%dma_wait3A_258 : memref<128x128xf32, #tpu.memory_space<hbm>>)
    %dma_wait3A_259 = arith.constant 0 : i32
    %dma_wait3A_260 = tpu.memref_slice %arg8[%arg0, %mul3A_212, %dma_wait3A_259] : memref<2x10240x128xf32, #tpu.memory_space<hbm>> -> memref<1x128x128xf32, #tpu.memory_space<hbm>>
    %dma_wait3A_261 = tpu.memref_squeeze %dma_wait3A_260 : memref<1x128x128xf32, #tpu.memory_space<hbm>> -> memref<128x128xf32, #tpu.memory_space<hbm>>
    %dma_wait3A_262 = arith.constant 0 : i32
    %dma_wait3A_263 = tpu.memref_slice %arg8[%arg0, %mul3A_212, %dma_wait3A_262] : memref<2x10240x128xf32, #tpu.memory_space<hbm>> -> memref<1x128x128xf32, #tpu.memory_space<hbm>>
    %dma_wait3A_264 = tpu.memref_squeeze %dma_wait3A_263 : memref<1x128x128xf32, #tpu.memory_space<hbm>> -> memref<128x128xf32, #tpu.memory_space<hbm>>
    tpu.wait_dma2 semaphore(%arg22 : memref<!tpu.dma_semaphore, #tpu.memory_space<semaphore_mem>>) src(%arg14 : memref<128x128xf32, #tpu.memory_space<vmem>>) dst(%dma_wait3A_264 : memref<128x128xf32, #tpu.memory_space<hbm>>)
    %mul3A_265 = arith.constant 640 : i32
    %mul3A_266 = arith.muli %arg1, %mul3A_265 : i32
    "tpu.region"() ({
      %run_scoped3A = tpu.sem_alloc : memref<!tpu.dma_semaphore, #tpu.memory_space<semaphore_mem>>
      %dma_start3A_269 = tpu.memref_slice %arg26[%mul3A_266] : memref<10240xf32, #tpu.memory_space<vmem_shared>> -> memref<640xf32, #tpu.memory_space<vmem_shared>>
      %dma_start3A_270 = tpu.memref_slice %arg26[%mul3A_266] : memref<10240xf32, #tpu.memory_space<vmem_shared>> -> memref<640xf32, #tpu.memory_space<vmem_shared>>
      tpu.enqueue_dma source(%dma_start3A_270 : memref<640xf32, #tpu.memory_space<vmem_shared>>) target(%arg15 : memref<640xf32, #tpu.memory_space<vmem>>) target_semaphore(%run_scoped3A : memref<!tpu.dma_semaphore, #tpu.memory_space<semaphore_mem>>)
      %dma_wait3A_271 = tpu.memref_slice %arg26[%mul3A_266] : memref<10240xf32, #tpu.memory_space<vmem_shared>> -> memref<640xf32, #tpu.memory_space<vmem_shared>>
      %dma_wait3A_272 = tpu.memref_slice %arg26[%mul3A_266] : memref<10240xf32, #tpu.memory_space<vmem_shared>> -> memref<640xf32, #tpu.memory_space<vmem_shared>>
      tpu.wait_dma2 semaphore(%run_scoped3A : memref<!tpu.dma_semaphore, #tpu.memory_space<semaphore_mem>>) src(%dma_wait3A_272 : memref<640xf32, #tpu.memory_space<vmem_shared>>) dst(%arg15 : memref<640xf32, #tpu.memory_space<vmem>>)
      tpu.yield
    }) : () -> ()
    %mul3A_267 = arith.constant 640 : i32
    %mul3A_268 = arith.muli %arg1, %mul3A_267 : i32
    "tpu.region"() ({
      %run_scoped3A = tpu.sem_alloc : memref<!tpu.dma_semaphore, #tpu.memory_space<semaphore_mem>>
      %dma_start3A_269 = tpu.memref_slice %arg9[%arg0, %mul3A_268] : memref<2x10240xf32, #tpu.memory_space<hbm>> -> memref<1x640xf32, #tpu.memory_space<hbm>>
      %dma_start3A_270 = tpu.memref_squeeze %dma_start3A_269 : memref<1x640xf32, #tpu.memory_space<hbm>> -> memref<640xf32, #tpu.memory_space<hbm>>
      %dma_start3A_271 = tpu.memref_slice %arg9[%arg0, %mul3A_268] : memref<2x10240xf32, #tpu.memory_space<hbm>> -> memref<1x640xf32, #tpu.memory_space<hbm>>
      %dma_start3A_272 = tpu.memref_squeeze %dma_start3A_271 : memref<1x640xf32, #tpu.memory_space<hbm>> -> memref<640xf32, #tpu.memory_space<hbm>>
      tpu.enqueue_dma source(%arg15 : memref<640xf32, #tpu.memory_space<vmem>>) target(%dma_start3A_272 : memref<640xf32, #tpu.memory_space<hbm>>) target_semaphore(%run_scoped3A : memref<!tpu.dma_semaphore, #tpu.memory_space<semaphore_mem>>)
      %dma_wait3A_273 = tpu.memref_slice %arg9[%arg0, %mul3A_268] : memref<2x10240xf32, #tpu.memory_space<hbm>> -> memref<1x640xf32, #tpu.memory_space<hbm>>
      %dma_wait3A_274 = tpu.memref_squeeze %dma_wait3A_273 : memref<1x640xf32, #tpu.memory_space<hbm>> -> memref<640xf32, #tpu.memory_space<hbm>>
      %dma_wait3A_275 = tpu.memref_slice %arg9[%arg0, %mul3A_268] : memref<2x10240xf32, #tpu.memory_space<hbm>> -> memref<1x640xf32, #tpu.memory_space<hbm>>
      %dma_wait3A_276 = tpu.memref_squeeze %dma_wait3A_275 : memref<1x640xf32, #tpu.memory_space<hbm>> -> memref<640xf32, #tpu.memory_space<hbm>>
      tpu.wait_dma2 semaphore(%run_scoped3A : memref<!tpu.dma_semaphore, #tpu.memory_space<semaphore_mem>>) src(%arg15 : memref<640xf32, #tpu.memory_space<vmem>>) dst(%dma_wait3A_276 : memref<640xf32, #tpu.memory_space<hbm>>)
      tpu.yield
    }) : () -> ()
    return
  }
}

module attributes {stable_mosaic.version = 14 : i64} {
  func.func @_tc_layer_body(%arg0: i32, %arg1: memref<2x2048x128xf32, #tpu.memory_space<vmem>>, %arg2: memref<2x2048xf32, #tpu.memory_space<vmem>>, %arg3: memref<2048x128xf32, #tpu.memory_space<vmem>>, %arg4: memref<128x128xf32, #tpu.memory_space<vmem>>, %arg5: memref<128x128xf32, #tpu.memory_space<vmem>>, %arg6: memref<1x128xf32, #tpu.memory_space<vmem>>, %arg7: memref<2048x128xf32, #tpu.memory_space<vmem>>) attributes {dimension_semantics = [#tpu.dimension_semantics<arbitrary>], iteration_bounds = array<i64: 5>, scalar_prefetch = 0 : i64, scratch_operands = 0 : i64, tpu.core_type = #tpu.core_type<tc>, window_params = [{transform_indices = @transform_0, window_bounds = array<i64: 2, 2048, 128>}, {transform_indices = @transform_1, window_bounds = array<i64: 2, 2048>}, {transform_indices = @transform_2, window_bounds = array<i64: 2048, 128>}, {pipeline_mode = #tpu.pipeline_mode<synchronous>, transform_indices = @transform_3, window_bounds = array<i64: 128, 128>}, {pipeline_mode = #tpu.pipeline_mode<synchronous>, transform_indices = @transform_4, window_bounds = array<i64: 128, 128>}, {pipeline_mode = #tpu.pipeline_mode<synchronous>, transform_indices = @transform_5, window_bounds = array<i64: 1, 128>}, {transform_indices = @transform_6, window_bounds = array<i64: 2048, 128>}]} {
    %get3A = arith.constant 0 : index
    %get3A_0 = arith.constant 0 : index
    %get3A_1 = arith.constant 0 : index
    %get3A_2 = vector.load %arg1[%get3A, %get3A_0, %get3A_1] : memref<2x2048x128xf32, #tpu.memory_space<vmem>>, vector<1x2048x128xf32>
    %get3A_3 = vector.shape_cast %get3A_2 : vector<1x2048x128xf32> to vector<2048x128xf32>
    %get3A_4 = arith.constant 1 : index
    %get3A_5 = arith.constant 0 : index
    %get3A_6 = arith.constant 0 : index
    %get3A_7 = vector.load %arg1[%get3A_4, %get3A_5, %get3A_6] : memref<2x2048x128xf32, #tpu.memory_space<vmem>>, vector<1x2048x128xf32>
    %get3A_8 = vector.shape_cast %get3A_7 : vector<1x2048x128xf32> to vector<2048x128xf32>
    %add3A = arith.addf %get3A_3, %get3A_8 : vector<2048x128xf32>
    %get3A_9 = arith.constant 0 : index
    %get3A_10 = arith.constant 0 : index
    %get3A_11 = vector.load %arg2[%get3A_9, %get3A_10] : memref<2x2048xf32, #tpu.memory_space<vmem>>, vector<1x2048xf32>
    %get3A_12 = vector.shape_cast %get3A_11 : vector<1x2048xf32> to vector<2048xf32>
    %get3A_13 = arith.constant 1 : index
    %get3A_14 = arith.constant 0 : index
    %get3A_15 = vector.load %arg2[%get3A_13, %get3A_14] : memref<2x2048xf32, #tpu.memory_space<vmem>>, vector<1x2048xf32>
    %get3A_16 = vector.shape_cast %get3A_15 : vector<1x2048xf32> to vector<2048xf32>
    %add3A_17 = arith.addf %get3A_12, %get3A_16 : vector<2048xf32>
    %max3A = arith.constant 1.000000e+00 : f32
    %max3A_18 = vector.broadcast %max3A : f32 to vector<2048xf32>
    %max3A_19 = arith.maximumf %add3A_17, %max3A_18 : vector<2048xf32>
    %div3A = arith.constant 1.000000e+00 : f32
    %div3A_20 = vector.broadcast %div3A : f32 to vector<2048xf32>
    %div3A_21 = arith.divf %div3A_20, %max3A_19 : vector<2048xf32>
    %broadcast_in_dim3A = vector.shape_cast %div3A_21 : vector<2048xf32> to vector<2048x1xf32>
    %mul3A = vector.broadcast %broadcast_in_dim3A : vector<2048x1xf32> to vector<2048x128xf32>
    %mul3A_22 = arith.mulf %add3A, %mul3A : vector<2048x128xf32>
    %get3A_23 = arith.constant 0 : index
    %get3A_24 = arith.constant 0 : index
    %get3A_25 = vector.load %arg4[%get3A_23, %get3A_24] : memref<128x128xf32, #tpu.memory_space<vmem>>, vector<128x128xf32>
    %dot_general3A = arith.constant dense<0.000000e+00> : vector<2048x128xf32>
    %dot_general3A_26 = tpu.matmul %mul3A_22, %get3A_25, %dot_general3A {dimension_numbers = #tpu.dot_dimension_numbers<[1], [0], [0], [1], [0, 0, 1, 1], [], []>, transpose_lhs_hint = false} : vector<2048x128xf32>, vector<128x128xf32>, vector<2048x128xf32> -> vector<2048x128xf32>
    %get3A_27 = arith.constant 0 : index
    %get3A_28 = arith.constant 0 : index
    %get3A_29 = vector.load %arg3[%get3A_27, %get3A_28] : memref<2048x128xf32, #tpu.memory_space<vmem>>, vector<2048x128xf32>
    %get3A_30 = arith.constant 0 : index
    %get3A_31 = arith.constant 0 : index
    %get3A_32 = vector.load %arg5[%get3A_30, %get3A_31] : memref<128x128xf32, #tpu.memory_space<vmem>>, vector<128x128xf32>
    %dot_general3A_33 = arith.constant dense<0.000000e+00> : vector<2048x128xf32>
    %dot_general3A_34 = tpu.matmul %get3A_29, %get3A_32, %dot_general3A_33 {dimension_numbers = #tpu.dot_dimension_numbers<[1], [0], [0], [1], [0, 0, 1, 1], [], []>, transpose_lhs_hint = false} : vector<2048x128xf32>, vector<128x128xf32>, vector<2048x128xf32> -> vector<2048x128xf32>
    %add3A_35 = arith.addf %dot_general3A_26, %dot_general3A_34 : vector<2048x128xf32>
    %get3A_36 = arith.constant 0 : index
    %get3A_37 = arith.constant 0 : index
    %get3A_38 = vector.load %arg6[%get3A_36, %get3A_37] : memref<1x128xf32, #tpu.memory_space<vmem>>, vector<1x128xf32>
    %add3A_39 = vector.broadcast %get3A_38 : vector<1x128xf32> to vector<2048x128xf32>
    %add3A_40 = arith.addf %add3A_35, %add3A_39 : vector<2048x128xf32>
    %max3A_41 = arith.constant 0.000000e+00 : f32
    %max3A_42 = vector.broadcast %max3A_41 : f32 to vector<2048x128xf32>
    %max3A_43 = arith.maximumf %add3A_40, %max3A_42 : vector<2048x128xf32>
    %swap3A = arith.constant 0 : index
    %swap3A_44 = arith.constant 0 : index
    %swap3A_45 = vector.load %arg7[%swap3A, %swap3A_44] : memref<2048x128xf32, #tpu.memory_space<vmem>>, vector<2048x128xf32>
    tpu.vector_store %arg7[%swap3A, %swap3A_44], %max3A_43 {strides = array<i32>} : memref<2048x128xf32, #tpu.memory_space<vmem>>, vector<2048x128xf32>,
    return
  }
  func.func @transform_0(%arg0: i32) -> (i32, i32, i32) {
    %c0_i32 = arith.constant 0 : i32
    %c0_i32_0 = arith.constant 0 : i32
    %c0_i32_1 = arith.constant 0 : i32
    return %c0_i32, %arg0, %c0_i32_0 : i32, i32, i32
  }
  func.func @transform_1(%arg0: i32) -> (i32, i32) {
    %c0_i32 = arith.constant 0 : i32
    %c0_i32_0 = arith.constant 0 : i32
    return %c0_i32, %arg0 : i32, i32
  }
  func.func @transform_2(%arg0: i32) -> (i32, i32) {
    %c0_i32 = arith.constant 0 : i32
    %c0_i32_0 = arith.constant 0 : i32
    return %arg0, %c0_i32 : i32, i32
  }
  func.func @transform_3(%arg0: i32) -> (i32, i32) {
    %c0_i32 = arith.constant 0 : i32
    %c0_i32_0 = arith.constant 0 : i32
    %c0_i32_1 = arith.constant 0 : i32
    return %c0_i32, %c0_i32_0 : i32, i32
  }
  func.func @transform_4(%arg0: i32) -> (i32, i32) {
    %c0_i32 = arith.constant 0 : i32
    %c0_i32_0 = arith.constant 0 : i32
    %c0_i32_1 = arith.constant 0 : i32
    return %c0_i32, %c0_i32_0 : i32, i32
  }
  func.func @transform_5(%arg0: i32) -> (i32, i32) {
    %c0_i32 = arith.constant 0 : i32
    %c0_i32_0 = arith.constant 0 : i32
    %c0_i32_1 = arith.constant 0 : i32
    return %c0_i32, %c0_i32_0 : i32, i32
  }
  func.func @transform_6(%arg0: i32) -> (i32, i32) {
    %c0_i32 = arith.constant 0 : i32
    %c0_i32_0 = arith.constant 0 : i32
    return %arg0, %c0_i32 : i32, i32
  }
}

</mosaic_0001>

<sc_bundles>
// kernel: kernel.6.cloned.1.call-start
scs
__scs_entry_jumppad:
0x0: {  	(pc) =	sbr.rel $0x88, $3  }
0x1: {  	(tag) =	ssettag $0x0;
	lr =	simm.s32 $0x1  }
0x2: {  	[smem:$0x3F99] =	sst lr;
	_ =	strace $0xD0000000  }
0x3: {  	_ = 	snop  }
0x4: {  	_ = 	snop  }
0x5: {  	_ = 	snop  }
0x6: {  	_ = 	snop  }
0x7: {  	_ = 	snop  }
__scs_overlays_trampoline_lowered:
0x8: {  	[smem:$0x3FA8] =	sst s0  }
0x9: {  	[smem:$0x3FA9] =	sst s1  }
0xa: {  	[smem:$0x3FAA] =	sst s2  }
0xb: {  	[smem:$0x3FAB] =	sst s3  }
0xc: {  	[smem:$0x3FAC] =	sst s4  }
0xd: {  	[smem:$0x3FAD] =	sst s5  }
0xe: {  	[smem:$0x3FAE] =	sst s6  }
0xf: {  	[smem:$0x3FAF] =	sst s7  }
0x10: {  	[smem:$0x3FB0] =	sst s8  }
0x11: {  	[smem:$0x3FB1] =	sst s9;
	s0 =	simm.s32 @!p0 $0x0  }
0x12: {  	s1 =	sld [smem:$0x3F97];
	s0 =	simm.s32 @p0 $0x1  }
0x13: {  	[smem:$0x3FB2] =	sst s0;
	s0 =	simm.s32 @!p1 $0x0  }
0x14: {  	s2 =	sld [smem:$0x3F96];
	s0 =	simm.s32 @p1 $0x1  }
0x15: {  	[smem:$0x3FB3] =	sst s0;
	s0 =	simm.s32 @!p2 $0x0  }
0x16: {  	s3 =	sld [smem:$0x3FDB];
	s0 =	simm.s32 @p2 $0x1  }
0x17: {  	s4 =	simm.s32 $0x1BF5;
	[smem:$0x3FB5] =	sst s0  }
0x18: {  	s0 =	sld [smem:$0x3F98];
	_ =	swait.ge [sflag:s4], $0x0  }
0x19: {  	s7 =	sld [smem:$0x3F99]  }
0x1a: {  	s8 =	sadd.s32 $0xFFFFE003, lr  }
0x1b: {  	s9 =	sadd.s32 $0xFFFFFEF7, lr;
	s5 =	simm.s32 $0xFFFFFFFF;
	p2 =	slt.u32 s8, $0xFFFFF086  }
0x1c: {  	p1 =	slt.u32 s9, $0xF7A;
	s5 =	simm.s32 @!p2 $0x0  }
0x1d: {  	s5 =	simm.s32 @p1 $0x1;
	p0 =	seq.s32 s7, s2  }
0x1e: {  	s7 =	smul.u32 @!p0 $0xF7A, s2;
	p2 =	seq.s32 @!p0 s5, $0x0  }
0x1f: {  	s9 =	smul.u32 $0xF7A, s1;
	s8 =	simm.s32 @!p0 $0x1BF5;
	p2 =	por !p2, p0  }
0x20: {  	[sflag:s8] =	ssyncset.s32 @!p0 $0xFFFFF086;
	s6 =	sadd.s32 @!p0 s3, s7;
	s7 =	simm.s32 @!p0 $0x108  }
0x21: {  	s3 =	sadd.s32 s3, s9;
	s6 =	sadd.s32 @!p0 $0x88, s6;
	s7 =	simm.s32 @p2 $0x1082  }
0x22: {  	[simem:s7], [sflag:s8] =	dma.local @!p0 [hbm:s6], $0xF7A  }
0x23: {  	s9 =	sor.u32 $0xD0000000, s2;
	s6 =	simm.s32 $0x108;
	_ =	swait.ge @!p0 [sflag:s8], $0x0  }
0x24: {  	s3 =	sadd.s32 $0x88, s3;
	s6 =	simm.s32 @!p1 $0x1082;
	[sflag:s4] =	ssyncset.s32 $0xFFFFF086  }
0x25: {  	[simem:s6], [sflag:s4] =	dma.local [hbm:s3], $0xF7A  }
0x26: {  	[smem:$0x3F99] =	sst s1;
	(tag) =	ssettag s2;
	_ =	strace s9  }
0x27: {  	s1 =	sld [smem:$0x3FA9]  }
0x28: {  	s2 =	sld [smem:$0x3FAA]  }
0x29: {  	s4 =	sld [smem:$0x3FAC]  }
0x2a: {  	p0 =	seq.s32 s5, $0x0;
	s5 =	sld [smem:$0x3FAD]  }
0x2b: {  	s6 =	sld [smem:$0x3FAE]  }
0x2c: {  	s7 =	sld [smem:$0x3FAF]  }
0x2d: {  	s3 =	simm.s32 $0x108;
	s8 =	sld [smem:$0x3FB0]  }
0x2e: {  	s3 =	simm.s32 @!p0 $0x1082;
	s9 =	sld [smem:$0x3FB1]  }
0x2f: {  	lr =	sadd.s32 s0, s3;
	s0 =	sld [smem:$0x3FA8]  }
0x30: {  	s3 =	sld [smem:$0x3FAB]  }
0x31: {  	[smem:$0x3FB4] =	sst s10  }
0x32: {  	s10 =	sld [smem:$0x3FB2];
	_ =	sdelay $0x3  }
0x33: {  	p0 =	seq.s32 s10, $0x1;
	s10 =	sld [smem:$0x3FB4];
	_ =	sdelay $0x3  }
0x34: {  	[smem:$0x3FB4] =	sst s10  }
0x35: {  	s10 =	sld [smem:$0x3FB3];
	_ =	sdelay $0x3  }
0x36: {  	p1 =	seq.s32 s10, $0x1;
	s10 =	sld [smem:$0x3FB4];
	_ =	sdelay $0x3  }
0x37: {  	[smem:$0x3FB4] =	sst s10  }
0x38: {  	s10 =	sld [smem:$0x3FB5]  }
0x39: {  	_ = 	snop;
	(pc) =	sbr.ind lr, $3  }
0x3a: {  	_ = 	snop  }
0x3b: {  	_ = 	snop  }
0x3c: {  	p2 =	seq.s32 s10, $0x1;
	s10 =	sld [smem:$0x3FB4]  }
0x3d: {  	_ =	shalt  }
0x3e: {  	_ =	shalt  }
0x3f: {  	_ =	shalt  }
0x40: {  	_ =	shalt  }
0x41: {  	_ =	shalt  }
0x42: {  	_ =	shalt  }
0x43: {  	_ =	shalt  }
0x44: {  	_ =	shalt  }
0x45: {  	_ =	shalt  }
0x46: {  	_ =	shalt  }
0x47: {  	_ =	shalt  }
0x48: {  	_ =	shalt  }
0x49: {  	_ =	shalt  }
0x4a: {  	_ =	shalt  }
0x4b: {  	_ =	shalt  }
0x4c: {  	_ =	shalt  }
0x4d: {  	_ =	shalt  }
0x4e: {  	_ =	shalt  }
0x4f: {  	_ =	shalt  }
0x50: {  	_ =	shalt  }
0x51: {  	_ =	shalt  }
0x52: {  	_ =	shalt  }
0x53: {  	_ =	shalt  }
0x54: {  	_ =	shalt  }
0x55: {  	_ =	shalt  }
0x56: {  	_ =	shalt  }
0x57: {  	_ =	shalt  }
0x58: {  	_ =	shalt  }
0x59: {  	_ =	shalt  }
0x5a: {  	_ =	shalt  }
0x5b: {  	_ =	shalt  }
0x5c: {  	_ =	shalt  }
0x5d: {  	_ =	shalt  }
0x5e: {  	_ =	shalt  }
0x5f: {  	_ =	shalt  }
0x60: {  	_ =	shalt  }
0x61: {  	_ =	shalt  }
0x62: {  	_ =	shalt  }
0x63: {  	_ =	shalt  }
0x64: {  	_ =	shalt  }
0x65: {  	_ =	shalt  }
0x66: {  	_ =	shalt  }
0x67: {  	_ =	shalt  }
0x68: {  	_ =	shalt  }
0x69: {  	_ =	shalt  }
0x6a: {  	_ =	shalt  }
0x6b: {  	_ =	shalt  }
0x6c: {  	_ =	shalt  }
0x6d: {  	_ =	shalt  }
0x6e: {  	_ =	shalt  }
0x6f: {  	_ =	shalt  }
0x70: {  	_ =	shalt  }
0x71: {  	_ =	shalt  }
0x72: {  	_ =	shalt  }
0x73: {  	_ =	shalt  }
0x74: {  	_ =	shalt  }
0x75: {  	_ =	shalt  }
0x76: {  	_ =	shalt  }
0x77: {  	_ =	shalt  }
0x78: {  	_ =	shalt  }
0x79: {  	_ =	shalt  }
0x7a: {  	_ =	shalt  }
0x7b: {  	_ =	shalt  }
0x7c: {  	_ =	shalt  }
0x7d: {  	_ =	shalt  }
0x7e: {  	_ =	shalt  }
0x7f: {  	_ =	shalt  }
0x80: {  	_ =	shalt  }
0x81: {  	_ =	shalt  }
0x82: {  	_ =	shalt  }
0x83: {  	_ =	shalt  }
0x84: {  	_ =	shalt  }
0x85: {  	_ =	shalt  }
0x86: {  	_ =	shalt  }
0x87: {  	_ =	shalt  }
.Lfunc_end0:
.L_simem_size_0:
called_computation_lowered:
.L_overlay_start_0:
0x88: {  	s2 =	sld [smem:$0x3FD9]  }
0x89: {  	s3 =	sld [smem:$0x3FFE];
	_ =	sdelay $0x1  }
0x8a: {  	s1 =	srdreg.scid  }
0x8b: {  	s0 =	sand.u32 $0x1, s1  }
0x8c: {  	s17 =	sshll.u32 s0, $0xA;
	s2 =	sadd.s32 s3, s2  }
0x8d: {  	s2 =	sadd.s32 s2, s17  }
0x8e: {  	[smem:$0x3FC0] =	sst s2  }
0x8f: {  	_ = 	snop  }
0x90: {  	s2 =	sld [smem:$0x3FD0];
	(tm) =	ssettm $0x1  }
0x91: {  	s18 =	sld [smem:$0x3FFB];
	_ =	sdelay $0x3  }
0x92: {  	_ =	strace s18  }
0x93: {  	s3 =	sld [smem:$0x3FFC];
	_ =	sdelay $0x3  }
0x94: {  	_ =	strace s3  }
0x95: {  	s3 =	sld [smem:$0x3FFD];
	_ =	sdelay $0x3  }
0x96: {  	_ =	strace s3  }
0x97: {  	_ =	strace $0x8FFFFFFF  }
0x98: {  	s19 =	sld [smem:$0x3FDB];
	_ =	sdelay $0x1  }
0x99: {  	s4 =	simm.s32 $_scs_section_size  }
0x9a: {  	s5 =	simm.s32 $_size__tile_overlayer_lowered;
	s6 =	simm.s32 $_tile_overlayer_lowered  }
0x9b: {  	s22 =	simm.s32 $0x1BFF;
	s21 =	sshll.u32 s6, $0x1;
	s3 =	sadd.s32 s4, s19  }
0x9c: {  	s7 =	simm.s32 $0x0;
	s20 =	sshll.u32 s5, $0x1;
	s5 =	sadd.s32 s21, s3  }
0x9d: {  	[timem:s7], [sflag:s22] =	dma.local [hbm:s5], s20  }
0x9e: {  	_ =	swait.ge [sflag:s22], s20  }
0x9f: {  	s4 =	ssub.s32 $0x0, s20;
	[sflag:s22] =	ssyncset.done $0x0  }
0xa0: {  	[sflag:s22] =	ssyncadd.s32 s4;
	_ =	sdelay $0x1  }
0xa1: {  	s23 =	simm.s32 $0x1B8B  }
0xa2: {  	_ =	swait.ge [sflag:s23], $0x1  }
0xa3: {  	[sflag:s23] =	ssyncset.done $0x0  }
0xa4: {  	s25 =	simm.s32 $0x1B8E;
	s24 =	sld [smem:$0x3FFE];
	[sflag:s23] =	ssyncadd.s32 $0xFFFFFFFF  }
0xa5: {  	s26 =	simm.s32 $execute0_lowered;
	[smem:$0x3FD2] =	sst s25  }
0xa6: {  	s5 =	sshll.u32 s26, $0x1;
	_ =	strace $0x80000046;
	[dreg:$0x1] =	wrdreg $0xFFFFFFFF  }
0xa7: {  	s28 =	simm.s32 $_size_execute0_lowered;
	s3 =	sadd.s32 s3, s5;
	[dreg:$0x0] =	wrdreg $0x0  }
0xa8: {  	s5 =	sshll.u32 s28, $0x1;
	[dreg:$0x2] =	wrdreg s3  }
0xa9: {  	[dreg:$0x3] =	wrdreg s5  }
0xaa: {  	[dreg:$0x4] =	wrdreg $0xC0  }
0xab: {  	_ =	task [dreg:s7], $0x5FFFF  }
0xac: {  	[dreg:$0x1] =	wrdreg $0xFFFFFFFF  }
0xad: {  	[dreg:$0x0] =	wrdreg $0x60  }
0xae: {  	[dreg:$0x2] =	wrdreg s24  }
0xaf: {  	[dreg:$0x3] =	wrdreg s2  }
0xb0: {  	[dreg:$0x4] =	wrdreg $0xAC800  }
0xb1: {  	[dreg:$0x5] =	wrdreg $0x1EC800  }
0xb2: {  	[dreg:$0x6] =	wrdreg $0x9  }
0xb3: {  	_ =	task.clear_ibuf [dreg:s7], $0x7FFFF;
	_ =	strace $0x90000046  }
0xb4: {  	s29 =	simm.s32 $0x9;
	_ =	strace $0x80000048  }
0xb5: {  	_ =	swait.ge [sflag:s29], $0x1  }
0xb6: {  	[sflag:s29] =	ssyncadd.s32 $0xFFFFFFFF  }
0xb7: {  	_ =	strace $0x90000048  }
0xb8: {  	_ =	sfence  }
0xb9: {  	s30 =	sld [smem:$0x0];
	_ =	sdelay $0x2  }
0xba: {  	s31 =	sshll.u32 s1, $0xD;
	s1 =	sshrl.u32 s1, $0x2  }
0xbb: {  	s3 =	sand.u32 $0x4000, s31;
	s1 =	sadd.s32 s1, s30  }
0xbc: {  	s0 =	sor.u32 s3, s0;
	s1 =	sshll.u32 s1, $0x11  }
0xbd: {  	s0 =	sor.u32 s1, s0  }
0xbe: {  	s0 =	sadd.s32 $0x8F2B, s0  }
0xbf: {  	[sflag:s0] =	ssyncadd.remote.s32 $0x1  }
0xc0: {  	_ =	sfence.sel $0xFFFF  }
0xc1: {  	[dreg:$0x0] =	wrdreg $0xFFFFFFFF;
	(pc) =	sbr.abs _section_cstart, $3  }
0xc2: {  	[dreg:$0x1] =	wrdreg $0xFFFFFFFF  }
0xc3: {  	_ =	task.clear_ibuf [dreg:s7], $0x2FFFF;
	_ =	strace $0x9FFFFFFF  }
0xc4: {  	(tm) =	ssettm $0x7FFFFFFF  }
0xc5: {  	_ =	shalt  }
tec
execute0_lowered:
.L_overlay_start_1:
0x0: {  	(tag) =	ssettag $0x1  }
0x1: {  	s0 =	rddreg [dreg:$0x0]  }
0x2: {  	s3 =	rddreg [dreg:$0x1]  }
0x3: {  	s1 =	rddreg [dreg:$0x2]  }
0x4: {  	s2 =	rddreg [dreg:$0x3];
	s4 =	simm.s32 $0x0  }
0x5: {  	s22 =	stileid.u32;
	s6 =	srdreg.scid;
	s29 =	simm.s32 $0x2980  }
0x6: {  	s30 =	simm.s32 $0x9;
	s31 =	simm.s32 $0x5;
	s8 =	smul.u32 $0x280, s22  }
0x7: {  	[smem:$0x7FF] =	sst s4;
	s5 =	sadd.s32 $0xC800, s0;
	s21 =	smul.u32 $0x500, s22  }
0x8: {  	s7 =	sadd.s32 $0x2600, s0;
	s6 =	sand.u32 $0x1, s6;
	s12 =	smul.u32 $0x50000, s22  }
0x9: {  	s9 =	sadd.s32 $0x35000, s0;
	s11 =	sadd.s32 $0x35800, s0;
	s16 =	smul.u32 $0x14000, s22  }
0xa: {  	_ =	strace $0x80000047;
	[dreg:$0x5] =	wrdreg s9;
	s10 =	sshll.u32 s6, $0x4  }
0xb: {  	s13 =	sshll.u32 s6, $0x7;
	s14 =	ssub.s32 $0x2, s6;
	s15 =	smul.u32 $0x140000, s6  }
0xc: {  	s6 =	smul.u32 $0x28000, s6;
	s10 =	sor.u32 s22, s10;
	s9 =	sor.u32 s13, s21  }
0xd: {  	s23 =	sshrl.u32 s14, $0x1;
	s24 =	sshll.u32 s8, $0x7;
	s22 =	smul.u32 $0x2800, s22  }
0xe: {  	s10 =	smul.u32 $0x2800, s10;
	s13 =	ssub.s32 s14, s23;
	s17 =	sadd.s32 $0x4000, s24  }
0xf: {  	s19 =	sadd.s32 $0x8000, s24;
	s20 =	sadd.s32 $0xC000, s24;
	s25 =	sadd.s32 s16, s15  }
0x10: {  	s21 =	sadd.s32 $0x10000, s24;
	s14 =	sshrl.u32 s25, $0x3;
	s26 =	sadd.s32 s15, s17  }
0x11: {  	s18 =	sadd.s32 s15, s19;
	s6 =	sadd.s32 s22, s6;
	s23 =	sadd.s32 s15, s20  }
0x12: {  	s15 =	sadd.s32 s15, s21;
	s28 =	sadd.s32 s19, s1;
	s22 =	smax.u32 s13, $0x1  }
0x13: {  	s13 =	simm.s32 $0x8;
	s10 =	sshrl.u32 s10, $0x3;
	s16 =	sshrl.u32 s26, $0x3  }
0x14: {  	s14 =	sadd.s32 s11, s14;
	s18 =	sshrl.u32 s18, $0x3;
	s24 =	sshrl.u32 s23, $0x3  }
0x15: {  	s15 =	sshrl.u32 s15, $0x3;
	s25 =	sor.u32 $0x200, s6;
	[dreg:$0x13] =	wrdreg s22  }
0x16: {  	s6 =	sor.u32 $0x180, s6;
	s23 =	sadd.s32 s20, s1;
	[dreg:$0x16] =	wrdreg s28  }
0x17: {  	s22 =	simm.s32 $0x7;
	[dreg:$0x6] =	wrdreg s14;
	s16 =	sadd.s32 s11, s16  }
0x18: {  	s14 =	sadd.s32 s11, s18;
	s3 =	sadd.s32 s3, s10;
	s26 =	sshrl.u32 s25, $0x3  }
0x19: {  	s10 =	sadd.s32 s7, s10;
	s6 =	sshrl.u32 s6, $0x3;
	[dreg:$0x11] =	wrdreg s23  }
0x1a: {  	s18 =	sshrl.u32 s12, $0x2;
	s12 =	simm.s32 $0x2;
	[dreg:$0x7] =	wrdreg s16  }
0x1b: {  	[dreg:$0x8] =	wrdreg s14;
	s14 =	sadd.s32 s11, s24;
	s11 =	sadd.s32 s11, s15  }
0x1c: {  	[dreg:$0xb] =	wrdreg s3;
	s15 =	sadd.s32 s6, s7;
	s16 =	sshrl.u32 s9, $0x3  }
0x1d: {  	s18 =	sadd.s32 s18, s1;
	s24 =	sadd.s32 s17, s1;
	[dreg:$0xc] =	wrdreg s10  }
0x1e: {  	s17 =	sadd.s32 s8, s2;
	s25 =	sadd.s32 $0x10, s10;
	[dreg:$0x9] =	wrdreg s14  }
0x1f: {  	s9 =	simm.s32 $0x3;
	[dreg:$0xa] =	wrdreg s11;
	s14 =	sadd.s32 s26, s7  }
0x20: {  	s11 =	sshrl.u32 s8, $0x3;
	s6 =	sadd.s32 s16, s0;
	[dreg:$0x14] =	wrdreg s25  }
0x21: {  	s26 =	sadd.s32 $0x20, s10;
	s7 =	simm.s32 $0x80;
	s8 =	simm.s32 $0x1  }
0x22: {  	s10 =	simm.s32 $0x2900;
	s16 =	simm.s32 $0x4;
	[dreg:$0x10] =	wrdreg s17  }
0x23: {  	s3 =	sadd.s32 s11, s0;
	s0 =	sadd.s32 $0x34800, s0;
	[dreg:$0x15] =	wrdreg s26  }
0x24: {  	s25 =	simm.s32 $0x6;
	[dreg:$0xd] =	wrdreg s0;
	s3 =	sadd.s32 $0x34A00, s3  }
0x25: {  	s0 =	sadd.s32 s21, s1;
	s21 =	sadd.s32 $0x85800, s6;
	[dreg:$0xf] =	wrdreg s3  }
0x26: {  	s11 =	simm.s32 $0x6980;
	s26 =	simm.s32 $0x0;
	[dreg:$0x12] =	wrdreg s21  }
0x27: {  	s6 =	simm.s32 $0x2880;
	s3 =	simm.s32 $0xAC00;
	[dreg:$0xe] =	wrdreg s0  }
.LBB2_1:
0x28: {  	s19 =	rddreg [dreg:$0x5]  }
0x29: {  	[tilespmem:s29], [sflag:$0x9] =	stream.linear.gather [hbm4b:s19+s4], $0x4000, $0x38;
	[tilespmem:$0x1EF00] =	vst v63  }
0x2a: {  	_ =	swait.ge [sflag:s30], $0x4000  }
0x2b: {  	[sflag:s30] =	ssyncset.done $0x0  }
0x2c: {  	[sflag:s30] =	ssyncadd.s32 $0xFFFFC000  }
0x2d: {  	[spmem:s18] =	stream.linear.scatter [tilespmem:s29], [sflag:$0x5], $0x4000, $0x38;
	[tilespmem:$0x1EF00] =	vst v63  }
0x2e: {  	_ = 	snop  }
0x2f: {  	[spmem:s24] =	stream.linear.scatter [tilespmem:s29], [sflag:$0x5], $0x4000, $0x38;
	[tilespmem:$0x1EF00] =	vst v63  }
0x30: {  	_ = 	snop  }
0x31: {  	[spmem:s28] =	stream.linear.scatter [tilespmem:s29], [sflag:$0x5], $0x4000, $0x38;
	[tilespmem:$0x1EF00] =	vst v63  }
0x32: {  	s21 =	smov.u32 s17;
	s17 =	smov.u32 s23  }
0x33: {  	[spmem:s17] =	stream.linear.scatter [tilespmem:s29], [sflag:$0x5], $0x4000, $0x38;
	[tilespmem:$0x1EF00] =	vst v63  }
0x34: {  	_ = 	snop  }
0x35: {  	[spmem:s0] =	stream.linear.scatter [tilespmem:s29], [sflag:$0x5], $0x4000, $0x38;
	[tilespmem:$0x1EF00] =	vst v63  }
0x36: {  	_ =	swait.ge [sflag:s31], $0x4000  }
0x37: {  	[sflag:s31] =	ssyncset.done $0x0  }
0x38: {  	[sflag:s31] =	ssyncadd.s32 $0xFFFFC000  }
0x39: {  	_ =	swait.ge [sflag:s31], $0x4000  }
0x3a: {  	[sflag:s31] =	ssyncset.done $0x0  }
0x3b: {  	[sflag:s31] =	ssyncadd.s32 $0xFFFFC000  }
0x3c: {  	_ =	swait.ge [sflag:s31], $0x4000  }
0x3d: {  	[sflag:s31] =	ssyncset.done $0x0  }
0x3e: {  	[sflag:s31] =	ssyncadd.s32 $0xFFFFC000  }
0x3f: {  	_ =	swait.ge [sflag:s31], $0x4000  }
0x40: {  	[sflag:s31] =	ssyncset.done $0x0  }
0x41: {  	[sflag:s31] =	ssyncadd.s32 $0xFFFFC000  }
0x42: {  	_ =	swait.ge [sflag:s31], $0x4000  }
0x43: {  	[sflag:s31] =	ssyncset.done $0x0  }
0x44: {  	s20 =	simm.s32 $0xA980;
	s17 =	rddreg [dreg:$0xf];
	[sflag:s31] =	ssyncadd.s32 $0xFFFFC000  }
0x45: {  	[tilespmem:s20], [sflag:$0x9] =	stream.linear.gather [hbm4b:s17+s4], $0x280, $0x38;
	[tilespmem:$0x1EF00] =	vst v63  }
0x46: {  	_ =	swait.ge [sflag:s30], $0x280  }
0x47: {  	[sflag:s30] =	ssyncset.done $0x0  }
0x48: {  	[sflag:s30] =	ssyncadd.s32 $0xFFFFFD80  }
0x49: {  	[spmem:s21] =	stream.linear.scatter [tilespmem:s20], [sflag:$0x9], $0x280, $0x38;
	[tilespmem:$0x1EF00] =	vst v63  }
0x4a: {  	_ =	swait.ge [sflag:s30], $0x280  }
0x4b: {  	[sflag:s30] =	ssyncset.done $0x0  }
0x4c: {  	s19 =	smov.u32 s18;
	s18 =	rddreg [dreg:$0xd];
	[sflag:s30] =	ssyncadd.s32 $0xFFFFFD80  }
0x4d: {  	[tilespmem:s3], [sflag:$0x9] =	stream.linear.gather [hbm4b:s18+s4], $0x80, $0x38;
	[tilespmem:$0x1EF00] =	vst v63  }
0x4e: {  	_ =	swait.ge [sflag:s30], $0x80  }
0x4f: {  	[sflag:s30] =	ssyncset.done $0x0  }
0x50: {  	[sflag:s30] =	ssyncadd.s32 $0xFFFFFF80  }
0x51: {  	[bflag:$0x0] =	sbarrier.arrive $0xFFFF  }
0x52: {  	s23 =	smov.u32 s24;
	s24 =	rddreg [dreg:$0xb]  }
0x53: {  	[tilespmem:s4], [sflag:$0x9] =	stream.linear.gather [hbm4b:s24+s4], $0x2880, $0x38;
	[tilespmem:$0x1EF00] =	vst v63  }
0x54: {  	_ =	swait.ge [sflag:s30], $0x2880  }
0x55: {  	[sflag:s30] =	ssyncset.done $0x0  }
0x56: {  	s0 =	rddreg [dreg:$0xc];
	[sflag:s30] =	ssyncadd.s32 $0xFFFFD780  }
0x57: {  	[tilespmem:s6], [sflag:$0x1] =	stream.linear.gather [hbm4b:s0+s4], $0x80, $0x38;
	[tilespmem:$0x1EF00] =	vst v63  }
0x58: {  	_ = 	snop  }
0x59: {  	[tilespmem:s29], [sflag:$0x3] =	stream.indirect.gather [hbm4b:s5+s7], $0x80, s4, s7, $0xb8;
	[tilespmem:$0x1EF00] =	vst v63  }
0x5a: {  	_ =	swait.ge [sflag:s8], $0x80  }
0x5b: {  	[sflag:s8] =	ssyncset.done $0x0  }
0x5c: {  	[sflag:s8] =	ssyncadd.s32 $0xFFFFFF80  }
0x5d: {  	_ =	swait.ge [sflag:s9], $0x4000  }
0x5e: {  	[sflag:s9] =	ssyncset.done $0x0  }
0x5f: {  	s17 =	rddreg [dreg:$0x14];
	[sflag:s9] =	ssyncadd.s32 $0xFFFFC000  }
0x60: {  	[tilespmem:s10], [sflag:$0x2] =	stream.linear.gather [hbm4b:s17+s4], $0x80, $0x38;
	[tilespmem:$0x1EF00] =	vst v63  }
0x61: {  	_ = 	snop  }
0x62: {  	[tilespmem:s11], [sflag:$0x4] =	stream.indirect.gather [hbm4b:s5+s7], $0x80, s7, s7, $0xb8;
	[tilespmem:$0x1EF00] =	vst v63  }
0x63: {  	_ = 	snop  }
0x64: {  	[spmem:s1] =	stream.indirect.scatter.add.f32 [tilespmem:s29], [sflag:$0x5], $0x80, s6, s7, $0xb8;
	[tilespmem:$0x1EF00] =	vst v63  }
0x65: {  	_ = 	snop  }
0x66: {  	[spmem:s2] =	stream.indirect.scatter.add.f32 [tilespmem:s3], [sflag:$0x7], $0x1, s6, s7, $0xb8;
	[tilespmem:$0x1EF00] =	vst v63  }
0x67: {  	_ =	swait.ge [sflag:s12], $0x80  }
0x68: {  	[sflag:s12] =	ssyncset.done $0x0  }
0x69: {  	[sflag:s12] =	ssyncadd.s32 $0xFFFFFF80  }
0x6a: {  	_ =	swait.ge [sflag:s16], $0x4000  }
0x6b: {  	[sflag:s16] =	ssyncset.done $0x0  }
0x6c: {  	[sflag:s16] =	ssyncadd.s32 $0xFFFFC000  }
0x6d: {  	_ =	swait.ge [sflag:s31], $0x4000  }
0x6e: {  	[sflag:s31] =	ssyncset.done $0x0  }
0x6f: {  	[sflag:s31] =	ssyncadd.s32 $0xFFFFC000  }
0x70: {  	_ =	swait.ge [sflag:s22], $0x80  }
0x71: {  	[sflag:s22] =	ssyncset.done $0x0  }
0x72: {  	s18 =	rddreg [dreg:$0x15];
	[sflag:s22] =	ssyncadd.s32 $0xFFFFFF80  }
0x73: {  	[tilespmem:s6], [sflag:$0x1] =	stream.linear.gather [hbm4b:s18+s4], $0x80, $0x38;
	[tilespmem:$0x1EF00] =	vst v63  }
0x74: {  	s20 =	simm.s32 $0x100  }
0x75: {  	[tilespmem:s29], [sflag:$0x3] =	stream.indirect.gather [hbm4b:s5+s7], $0x80, s20, s7, $0xb8;
	[tilespmem:$0x1EF00] =	vst v63  }
0x76: {  	_ = 	snop  }
0x77: {  	[spmem:s1] =	stream.indirect.scatter.add.f32 [tilespmem:s11], [sflag:$0x6], $0x80, s10, s7, $0xb8;
	[tilespmem:$0x1EF00] =	vst v63  }
0x78: {  	_ = 	snop  }
0x79: {  	[spmem:s2] =	stream.indirect.scatter.add.f32 [tilespmem:s3], [sflag:$0x8], $0x1, s10, s7, $0xb8;
	[tilespmem:$0x1EF00] =	vst v63  }
0x7a: {  	_ =	swait.ge [sflag:s8], $0x80  }
0x7b: {  	[sflag:s8] =	ssyncset.done $0x0  }
0x7c: {  	[sflag:s8] =	ssyncadd.s32 $0xFFFFFF80  }
0x7d: {  	_ =	swait.ge [sflag:s9], $0x4000  }
0x7e: {  	[sflag:s9] =	ssyncset.done $0x0  }
0x7f: {  	[sflag:s9] =	ssyncadd.s32 $0xFFFFC000  }
0x80: {  	[spmem:s1] =	stream.indirect.scatter.add.f32 [tilespmem:s29], [sflag:$0x5], $0x80, s6, s7, $0xb8;
	[tilespmem:$0x1EF00] =	vst v63  }
0x81: {  	_ = 	snop  }
0x82: {  	[spmem:s2] =	stream.indirect.scatter.add.f32 [tilespmem:s3], [sflag:$0x7], $0x1, s6, s7, $0xb8;
	[tilespmem:$0x1EF00] =	vst v63  }
0x83: {  	_ =	swait.ge [sflag:s25], $0x4000  }
0x84: {  	[sflag:s25] =	ssyncset.done $0x0  }
0x85: {  	[sflag:s25] =	ssyncadd.s32 $0xFFFFC000  }
0x86: {  	_ =	swait.ge [sflag:s13], $0x80  }
0x87: {  	[sflag:s13] =	ssyncset.done $0x0  }
0x88: {  	s24 =	sadd.s32 $0x0, s15;
	[sflag:s13] =	ssyncadd.s32 $0xFFFFFF80  }
0x89: {  	[tilespmem:s10], [sflag:$0x2] =	stream.linear.gather [hbm4b:s24+s4], $0x80, $0x38;
	[tilespmem:$0x1EF00] =	vst v63  }
0x8a: {  	s0 =	simm.s32 $0x180  }
0x8b: {  	[tilespmem:s11], [sflag:$0x4] =	stream.indirect.gather [hbm4b:s5+s7], $0x80, s0, s7, $0xb8;
	[tilespmem:$0x1EF00] =	vst v63  }
0x8c: {  	_ =	swait.ge [sflag:s12], $0x80  }
0x8d: {  	[sflag:s12] =	ssyncset.done $0x0  }
0x8e: {  	[sflag:s12] =	ssyncadd.s32 $0xFFFFFF80  }
0x8f: {  	_ =	swait.ge [sflag:s16], $0x4000  }
0x90: {  	[sflag:s16] =	ssyncset.done $0x0  }
0x91: {  	[sflag:s16] =	ssyncadd.s32 $0xFFFFC000  }
0x92: {  	_ =	swait.ge [sflag:s31], $0x4000  }
0x93: {  	[sflag:s31] =	ssyncset.done $0x0  }
0x94: {  	[sflag:s31] =	ssyncadd.s32 $0xFFFFC000  }
0x95: {  	_ =	swait.ge [sflag:s22], $0x80  }
0x96: {  	[sflag:s22] =	ssyncset.done $0x0  }
0x97: {  	s18 =	sadd.s32 $0x0, s14;
	[sflag:s22] =	ssyncadd.s32 $0xFFFFFF80  }
0x98: {  	[tilespmem:s6], [sflag:$0x1] =	stream.linear.gather [hbm4b:s18+s4], $0x80, $0x38;
	[tilespmem:$0x1EF00] =	vst v63  }
0x99: {  	s24 =	simm.s32 $0x200  }
0x9a: {  	[tilespmem:s29], [sflag:$0x3] =	stream.indirect.gather [hbm4b:s5+s7], $0x80, s24, s7, $0xb8;
	[tilespmem:$0x1EF00] =	vst v63  }
0x9b: {  	s28 =	simm.s32 $0x20;
	s21 =	simm.s32 $0xA980;
	s24 =	simm.s32 $0x300  }
0x9c: {  	[spmem:s1] =	stream.indirect.scatter.add.f32 [tilespmem:s11], [sflag:$0x6], $0x80, s10, s7, $0xb8;
	[tilespmem:$0x1EF00] =	vst v63  }
.LBB2_2:
0x9d: {  	[spmem:s2] =	stream.indirect.scatter.add.f32 [tilespmem:s3], [sflag:$0x8], $0x1, s10, s7, $0xb8;
	[tilespmem:$0x1EF00] =	vst v63  }
0x9e: {  	s17 =	smov.u32 s28  }
0x9f: {  	p0 =	sne.s32 s28, $0x4C0;
	s28 =	sadd.s32 $0x20, s28;
	_ =	swait.ge [sflag:s8], $0x80  }
0xa0: {  	[sflag:s8] =	ssyncset.done $0x0  }
0xa1: {  	[sflag:s8] =	ssyncadd.s32 $0xFFFFFF80  }
0xa2: {  	_ =	swait.ge [sflag:s9], $0x4000  }
0xa3: {  	[sflag:s9] =	ssyncset.done $0x0  }
0xa4: {  	[sflag:s9] =	ssyncadd.s32 $0xFFFFC000  }
0xa5: {  	[spmem:s1] =	stream.indirect.scatter.add.f32 [tilespmem:s29], [sflag:$0x5], $0x80, s6, s7, $0xb8;
	[tilespmem:$0x1EF00] =	vst v63  }
0xa6: {  	_ = 	snop  }
0xa7: {  	[spmem:s2] =	stream.indirect.scatter.add.f32 [tilespmem:s3], [sflag:$0x7], $0x1, s6, s7, $0xb8;
	[tilespmem:$0x1EF00] =	vst v63  }
0xa8: {  	_ =	swait.ge [sflag:s25], $0x4000  }
0xa9: {  	[sflag:s25] =	ssyncset.done $0x0  }
0xaa: {  	[sflag:s25] =	ssyncadd.s32 $0xFFFFC000  }
0xab: {  	_ =	swait.ge [sflag:s13], $0x80  }
0xac: {  	[sflag:s13] =	ssyncset.done $0x0  }
0xad: {  	s18 =	sadd.s32 s17, s15;
	[sflag:s13] =	ssyncadd.s32 $0xFFFFFF80  }
0xae: {  	[tilespmem:s10], [sflag:$0x2] =	stream.linear.gather [hbm4b:s18+s4], $0x80, $0x38;
	[tilespmem:$0x1EF00] =	vst v63  }
0xaf: {  	s18 =	sadd.s32 $0xFFFFFF80, s24  }
0xb0: {  	[tilespmem:s11], [sflag:$0x4] =	stream.indirect.gather [hbm4b:s5+s7], $0x80, s18, s7, $0xb8;
	[tilespmem:$0x1EF00] =	vst v63  }
0xb1: {  	_ =	swait.ge [sflag:s12], $0x80  }
0xb2: {  	[sflag:s12] =	ssyncset.done $0x0  }
0xb3: {  	[sflag:s12] =	ssyncadd.s32 $0xFFFFFF80  }
0xb4: {  	_ =	swait.ge [sflag:s16], $0x4000  }
0xb5: {  	[sflag:s16] =	ssyncset.done $0x0  }
0xb6: {  	[sflag:s16] =	ssyncadd.s32 $0xFFFFC000  }
0xb7: {  	_ =	swait.ge [sflag:s31], $0x4000  }
0xb8: {  	[sflag:s31] =	ssyncset.done $0x0  }
0xb9: {  	[sflag:s31] =	ssyncadd.s32 $0xFFFFC000  }
0xba: {  	_ =	swait.ge [sflag:s22], $0x80  }
0xbb: {  	[sflag:s22] =	ssyncset.done $0x0  }
0xbc: {  	s17 =	sadd.s32 s17, s14;
	[sflag:s22] =	ssyncadd.s32 $0xFFFFFF80  }
0xbd: {  	[tilespmem:s6], [sflag:$0x1] =	stream.linear.gather [hbm4b:s17+s4], $0x80, $0x38;
	[tilespmem:$0x1EF00] =	vst v63  }
.Ltmp0:
0xbe: {  	(pc) =	sbr.rel @p0 .LBB2_2-.Ltmp0, $4  }
0xbf: {  	[tilespmem:s29], [sflag:$0x3] =	stream.indirect.gather [hbm4b:s5+s7], $0x80, s24, s7, $0xb8;
	[tilespmem:$0x1EF00] =	vst v63  }
0xc0: {  	_ = 	snop  }
0xc1: {  	[spmem:s1] =	stream.indirect.scatter.add.f32 [tilespmem:s11], [sflag:$0x6], $0x80, s10, s7, $0xb8;
	[tilespmem:$0x1EF00] =	vst v63  }
0xc2: {  	s24 =	sadd.s32 $0x100, s24  }
0xc3: {  	[spmem:s2] =	stream.indirect.scatter.add.f32 [tilespmem:s3], [sflag:$0x8], $0x1, s10, s7, $0xb8;
	[tilespmem:$0x1EF00] =	vst v63  }
0xc4: {  	_ =	swait.ge [sflag:s8], $0x80  }
0xc5: {  	[sflag:s8] =	ssyncset.done $0x0  }
0xc6: {  	[sflag:s8] =	ssyncadd.s32 $0xFFFFFF80  }
0xc7: {  	_ =	swait.ge [sflag:s9], $0x4000  }
0xc8: {  	[sflag:s9] =	ssyncset.done $0x0  }
0xc9: {  	[sflag:s9] =	ssyncadd.s32 $0xFFFFC000  }
0xca: {  	_ =	swait.ge [sflag:s25], $0x4000  }
0xcb: {  	[sflag:s25] =	ssyncset.done $0x0  }
0xcc: {  	[sflag:s25] =	ssyncadd.s32 $0xFFFFC000  }
0xcd: {  	_ =	swait.ge [sflag:s13], $0x80  }
0xce: {  	[sflag:s13] =	ssyncset.done $0x0  }
0xcf: {  	[sflag:s13] =	ssyncadd.s32 $0xFFFFFF80  }
0xd0: {  	[bflag:$0x0] =	sbarrier.arrive $0xFFFF  }
0xd1: {  	[tilespmem:s29], [sflag:$0x3] =	stream.linear.gather [spmem:s19], $0x4000, $0x38;
	[tilespmem:$0x1EF00] =	vst v63  }
0xd2: {  	_ =	swait.ge [sflag:s9], $0x4000  }
0xd3: {  	[sflag:s9] =	ssyncset.done $0x0  }
0xd4: {  	s17 =	rddreg [dreg:$0x6];
	[sflag:s9] =	ssyncadd.s32 $0xFFFFC000  }
0xd5: {  	[hbm4b:s17+s4] =	stream.linear.scatter [tilespmem:s29], [sflag:$0x5], $0x4000, $0x38;
	[tilespmem:$0x1EF00] =	vst v63  }
0xd6: {  	_ = 	snop  }
0xd7: {  	[tilespmem:s11], [sflag:$0x4] =	stream.linear.gather [spmem:s23], $0x4000, $0x38;
	[tilespmem:$0x1EF00] =	vst v63  }
0xd8: {  	_ =	swait.ge [sflag:s16], $0x4000  }
0xd9: {  	[sflag:s16] =	ssyncset.done $0x0  }
0xda: {  	s18 =	smov.u32 s19;
	s19 =	rddreg [dreg:$0x7];
	[sflag:s16] =	ssyncadd.s32 $0xFFFFC000  }
0xdb: {  	[hbm4b:s19+s4] =	stream.linear.scatter [tilespmem:s11], [sflag:$0x6], $0x4000, $0x38;
	[tilespmem:$0x1EF00] =	vst v63  }
0xdc: {  	_ =	swait.ge [sflag:s31], $0x4000  }
0xdd: {  	[sflag:s31] =	ssyncset.done $0x0  }
0xde: {  	s28 =	rddreg [dreg:$0x16];
	[sflag:s31] =	ssyncadd.s32 $0xFFFFC000  }
0xdf: {  	[tilespmem:s29], [sflag:$0x3] =	stream.linear.gather [spmem:s28], $0x4000, $0x38;
	[tilespmem:$0x1EF00] =	vst v63  }
0xe0: {  	_ =	swait.ge [sflag:s9], $0x4000  }
0xe1: {  	[sflag:s9] =	ssyncset.done $0x0  }
0xe2: {  	s24 =	smov.u32 s23;
	s23 =	rddreg [dreg:$0x8];
	[sflag:s9] =	ssyncadd.s32 $0xFFFFC000  }
0xe3: {  	[hbm4b:s23+s4] =	stream.linear.scatter [tilespmem:s29], [sflag:$0x5], $0x4000, $0x38;
	[tilespmem:$0x1EF00] =	vst v63  }
0xe4: {  	_ =	swait.ge [sflag:s25], $0x4000  }
0xe5: {  	[sflag:s25] =	ssyncset.done $0x0  }
0xe6: {  	s23 =	rddreg [dreg:$0x11];
	[sflag:s25] =	ssyncadd.s32 $0xFFFFC000  }
0xe7: {  	[tilespmem:s11], [sflag:$0x4] =	stream.linear.gather [spmem:s23], $0x4000, $0x38;
	[tilespmem:$0x1EF00] =	vst v63  }
0xe8: {  	_ =	swait.ge [sflag:s16], $0x4000  }
0xe9: {  	[sflag:s16] =	ssyncset.done $0x0  }
0xea: {  	s0 =	rddreg [dreg:$0x9];
	[sflag:s16] =	ssyncadd.s32 $0xFFFFC000  }
0xeb: {  	[hbm4b:s0+s4] =	stream.linear.scatter [tilespmem:s11], [sflag:$0x6], $0x4000, $0x38;
	[tilespmem:$0x1EF00] =	vst v63  }
0xec: {  	_ =	swait.ge [sflag:s31], $0x4000  }
0xed: {  	[sflag:s31] =	ssyncset.done $0x0  }
0xee: {  	s0 =	rddreg [dreg:$0xe];
	[sflag:s31] =	ssyncadd.s32 $0xFFFFC000  }
0xef: {  	[tilespmem:s29], [sflag:$0x3] =	stream.linear.gather [spmem:s0], $0x4000, $0x38;
	[tilespmem:$0x1EF00] =	vst v63  }
0xf0: {  	_ =	swait.ge [sflag:s9], $0x4000  }
0xf1: {  	[sflag:s9] =	ssyncset.done $0x0  }
0xf2: {  	s19 =	rddreg [dreg:$0xa];
	[sflag:s9] =	ssyncadd.s32 $0xFFFFC000  }
0xf3: {  	[hbm4b:s19+s4] =	stream.linear.scatter [tilespmem:s29], [sflag:$0x5], $0x4000, $0x38;
	[tilespmem:$0x1EF00] =	vst v63  }
0xf4: {  	_ =	swait.ge [sflag:s31], $0x4000  }
0xf5: {  	[sflag:s31] =	ssyncset.done $0x0  }
0xf6: {  	[sflag:s31] =	ssyncadd.s32 $0xFFFFC000  }
0xf7: {  	_ =	swait.ge [sflag:s25], $0x4000  }
0xf8: {  	[sflag:s25] =	ssyncset.done $0x0  }
0xf9: {  	s17 =	rddreg [dreg:$0x10];
	[sflag:s25] =	ssyncadd.s32 $0xFFFFC000  }
0xfa: {  	[tilespmem:s21], [sflag:$0x9] =	stream.linear.gather [spmem:s17], $0x280, $0x38;
	[tilespmem:$0x1EF00] =	vst v63  }
0xfb: {  	_ =	swait.ge [sflag:s30], $0x280  }
0xfc: {  	[sflag:s30] =	ssyncset.done $0x0  }
0xfd: {  	s19 =	rddreg [dreg:$0x12];
	[sflag:s30] =	ssyncadd.s32 $0xFFFFFD80  }
0xfe: {  	[hbm4b:s19+s7] =	stream.strided.scatter [tilespmem:s21], [sflag:$0x9], $0x280, s20, s7, $0x38;
	[tilespmem:$0x1EF00] =	vst v63  }
0xff: {  	_ =	swait.ge [sflag:s30], $0x280  }
0x100: {  	s26 =	sadd.s32 $0x1, s26;
	s21 =	rddreg [dreg:$0x13]  }
0x101: {  	p0 =	sne.s32 s26, s21  }
.Ltmp1:
0x102: {  	_ = 	snop;
	(pc) =	sbr.rel @p0 .LBB2_1-.Ltmp1, $3  }
0x103: {  	_ =	sdelay $0x1  }
0x104: {  	[sflag:s30] =	ssyncset.done $0x0  }
0x105: {  	[sflag:s30] =	ssyncadd.s32 $0xFFFFFD80  }
0x106: {  	_ =	sfence.sel $0x180000  }
0x107: {  	[bflag:$0x0] =	sbarrier.arrive $0xFFFF  }
0x108: {  	_ =	strace $0x90000047  }
0x109: {  	s0 =	stileid.u32;
	[bflag:$0x2] =	sbarrier.arrive $0xFFFF  }
0x10a: {  	p0 =	sne.s32 s0, $0x0;
	s0 =	rddreg [dreg:$0x4]  }
0x10b: {  	s0 =	sadd.s32 @!p0 $0x100000, s0  }
0x10c: {  	[sflag:s0] =	ssyncadd.tile.s32 @!p0 $0x1;
	_ =	shalt  }
.Lfunc_end2:
_tile_overlayer_lowered:
.L_overlay_start_2:
0x10d: {  	(tag) =	ssettag $0x2  }
0x10e: {  	s0 =	rddreg [dreg:$0x0];
	s2 =	stileid.u32  }
0x10f: {  	s1 =	rddreg [dreg:$0x1];
	p0 =	sne.s32 s2, $0x0  }
0x110: {  	s3 =	rddreg [dreg:$0x2];
	[bflag:$0x3] =	sbarrier.arrive $0xFFFF;
	s2 =	simm.s32 @!p0 $0x1C09  }
0x111: {  	[timem:s3], [sflag:s2] =	dma.local @!p0 [hbm:s0], s1  }
0x112: {  	s0 =	simm.s32 @!p0 $0x9  }
0x113: {  	_ =	swait.ge @!p0 [sflag:s0], s1  }
0x114: {  	s1 =	ssub.s32 @!p0 $0x0, s1;
	[sflag:s0] =	ssyncset.done @!p0 $0x0  }
0x115: {  	[sflag:s0] =	ssyncadd.s32 @!p0 s1  }
0x116: {  	[bflag:$0x3] =	sbarrier.arrive $0xFFFF  }
0x117: {  	_ =	shalt  }

// kernel: kernel.9.cloned.1.call-start
scs
__scs_entry_jumppad:
0x0: {  	(pc) =	sbr.rel $0x88, $3  }
0x1: {  	(tag) =	ssettag $0x0;
	lr =	simm.s32 $0x1  }
0x2: {  	[smem:$0x3F99] =	sst lr;
	_ =	strace $0xD0000000  }
0x3: {  	_ = 	snop  }
0x4: {  	_ = 	snop  }
0x5: {  	_ = 	snop  }
0x6: {  	_ = 	snop  }
0x7: {  	_ = 	snop  }
__scs_overlays_trampoline_lowered:
0x8: {  	[smem:$0x3FA8] =	sst s0  }
0x9: {  	[smem:$0x3FA9] =	sst s1  }
0xa: {  	[smem:$0x3FAA] =	sst s2  }
0xb: {  	[smem:$0x3FAB] =	sst s3  }
0xc: {  	[smem:$0x3FAC] =	sst s4  }
0xd: {  	[smem:$0x3FAD] =	sst s5  }
0xe: {  	[smem:$0x3FAE] =	sst s6  }
0xf: {  	[smem:$0x3FAF] =	sst s7  }
0x10: {  	[smem:$0x3FB0] =	sst s8  }
0x11: {  	[smem:$0x3FB1] =	sst s9;
	s0 =	simm.s32 @!p0 $0x0  }
0x12: {  	s1 =	sld [smem:$0x3F97];
	s0 =	simm.s32 @p0 $0x1  }
0x13: {  	[smem:$0x3FB2] =	sst s0;
	s0 =	simm.s32 @!p1 $0x0  }
0x14: {  	s2 =	sld [smem:$0x3F96];
	s0 =	simm.s32 @p1 $0x1  }
0x15: {  	[smem:$0x3FB3] =	sst s0;
	s0 =	simm.s32 @!p2 $0x0  }
0x16: {  	s3 =	sld [smem:$0x3FDB];
	s0 =	simm.s32 @p2 $0x1  }
0x17: {  	s4 =	simm.s32 $0x1BF5;
	[smem:$0x3FB5] =	sst s0  }
0x18: {  	s0 =	sld [smem:$0x3F98];
	_ =	swait.ge [sflag:s4], $0x0  }
0x19: {  	s7 =	sld [smem:$0x3F99]  }
0x1a: {  	s8 =	sadd.s32 $0xFFFFE003, lr  }
0x1b: {  	s9 =	sadd.s32 $0xFFFFFEF7, lr;
	s5 =	simm.s32 $0xFFFFFFFF;
	p2 =	slt.u32 s8, $0xFFFFF086  }
0x1c: {  	p1 =	slt.u32 s9, $0xF7A;
	s5 =	simm.s32 @!p2 $0x0  }
0x1d: {  	s5 =	simm.s32 @p1 $0x1;
	p0 =	seq.s32 s7, s2  }
0x1e: {  	s7 =	smul.u32 @!p0 $0xF7A, s2;
	p2 =	seq.s32 @!p0 s5, $0x0  }
0x1f: {  	s9 =	smul.u32 $0xF7A, s1;
	s8 =	simm.s32 @!p0 $0x1BF5;
	p2 =	por !p2, p0  }
0x20: {  	[sflag:s8] =	ssyncset.s32 @!p0 $0xFFFFF086;
	s6 =	sadd.s32 @!p0 s3, s7;
	s7 =	simm.s32 @!p0 $0x108  }
0x21: {  	s3 =	sadd.s32 s3, s9;
	s6 =	sadd.s32 @!p0 $0x88, s6;
	s7 =	simm.s32 @p2 $0x1082  }
0x22: {  	[simem:s7], [sflag:s8] =	dma.local @!p0 [hbm:s6], $0xF7A  }
0x23: {  	s9 =	sor.u32 $0xD0000000, s2;
	s6 =	simm.s32 $0x108;
	_ =	swait.ge @!p0 [sflag:s8], $0x0  }
0x24: {  	s3 =	sadd.s32 $0x88, s3;
	s6 =	simm.s32 @!p1 $0x1082;
	[sflag:s4] =	ssyncset.s32 $0xFFFFF086  }
0x25: {  	[simem:s6], [sflag:s4] =	dma.local [hbm:s3], $0xF7A  }
0x26: {  	[smem:$0x3F99] =	sst s1;
	(tag) =	ssettag s2;
	_ =	strace s9  }
0x27: {  	s1 =	sld [smem:$0x3FA9]  }
0x28: {  	s2 =	sld [smem:$0x3FAA]  }
0x29: {  	s4 =	sld [smem:$0x3FAC]  }
0x2a: {  	p0 =	seq.s32 s5, $0x0;
	s5 =	sld [smem:$0x3FAD]  }
0x2b: {  	s6 =	sld [smem:$0x3FAE]  }
0x2c: {  	s7 =	sld [smem:$0x3FAF]  }
0x2d: {  	s3 =	simm.s32 $0x108;
	s8 =	sld [smem:$0x3FB0]  }
0x2e: {  	s3 =	simm.s32 @!p0 $0x1082;
	s9 =	sld [smem:$0x3FB1]  }
0x2f: {  	lr =	sadd.s32 s0, s3;
	s0 =	sld [smem:$0x3FA8]  }
0x30: {  	s3 =	sld [smem:$0x3FAB]  }
0x31: {  	[smem:$0x3FB4] =	sst s10  }
0x32: {  	s10 =	sld [smem:$0x3FB2];
	_ =	sdelay $0x3  }
0x33: {  	p0 =	seq.s32 s10, $0x1;
	s10 =	sld [smem:$0x3FB4];
	_ =	sdelay $0x3  }
0x34: {  	[smem:$0x3FB4] =	sst s10  }
0x35: {  	s10 =	sld [smem:$0x3FB3];
	_ =	sdelay $0x3  }
0x36: {  	p1 =	seq.s32 s10, $0x1;
	s10 =	sld [smem:$0x3FB4];
	_ =	sdelay $0x3  }
0x37: {  	[smem:$0x3FB4] =	sst s10  }
0x38: {  	s10 =	sld [smem:$0x3FB5]  }
0x39: {  	_ = 	snop;
	(pc) =	sbr.ind lr, $3  }
0x3a: {  	_ = 	snop  }
0x3b: {  	_ = 	snop  }
0x3c: {  	p2 =	seq.s32 s10, $0x1;
	s10 =	sld [smem:$0x3FB4]  }
0x3d: {  	_ =	shalt  }
0x3e: {  	_ =	shalt  }
0x3f: {  	_ =	shalt  }
0x40: {  	_ =	shalt  }
0x41: {  	_ =	shalt  }
0x42: {  	_ =	shalt  }
0x43: {  	_ =	shalt  }
0x44: {  	_ =	shalt  }
0x45: {  	_ =	shalt  }
0x46: {  	_ =	shalt  }
0x47: {  	_ =	shalt  }
0x48: {  	_ =	shalt  }
0x49: {  	_ =	shalt  }
0x4a: {  	_ =	shalt  }
0x4b: {  	_ =	shalt  }
0x4c: {  	_ =	shalt  }
0x4d: {  	_ =	shalt  }
0x4e: {  	_ =	shalt  }
0x4f: {  	_ =	shalt  }
0x50: {  	_ =	shalt  }
0x51: {  	_ =	shalt  }
0x52: {  	_ =	shalt  }
0x53: {  	_ =	shalt  }
0x54: {  	_ =	shalt  }
0x55: {  	_ =	shalt  }
0x56: {  	_ =	shalt  }
0x57: {  	_ =	shalt  }
0x58: {  	_ =	shalt  }
0x59: {  	_ =	shalt  }
0x5a: {  	_ =	shalt  }
0x5b: {  	_ =	shalt  }
0x5c: {  	_ =	shalt  }
0x5d: {  	_ =	shalt  }
0x5e: {  	_ =	shalt  }
0x5f: {  	_ =	shalt  }
0x60: {  	_ =	shalt  }
0x61: {  	_ =	shalt  }
0x62: {  	_ =	shalt  }
0x63: {  	_ =	shalt  }
0x64: {  	_ =	shalt  }
0x65: {  	_ =	shalt  }
0x66: {  	_ =	shalt  }
0x67: {  	_ =	shalt  }
0x68: {  	_ =	shalt  }
0x69: {  	_ =	shalt  }
0x6a: {  	_ =	shalt  }
0x6b: {  	_ =	shalt  }
0x6c: {  	_ =	shalt  }
0x6d: {  	_ =	shalt  }
0x6e: {  	_ =	shalt  }
0x6f: {  	_ =	shalt  }
0x70: {  	_ =	shalt  }
0x71: {  	_ =	shalt  }
0x72: {  	_ =	shalt  }
0x73: {  	_ =	shalt  }
0x74: {  	_ =	shalt  }
0x75: {  	_ =	shalt  }
0x76: {  	_ =	shalt  }
0x77: {  	_ =	shalt  }
0x78: {  	_ =	shalt  }
0x79: {  	_ =	shalt  }
0x7a: {  	_ =	shalt  }
0x7b: {  	_ =	shalt  }
0x7c: {  	_ =	shalt  }
0x7d: {  	_ =	shalt  }
0x7e: {  	_ =	shalt  }
0x7f: {  	_ =	shalt  }
0x80: {  	_ =	shalt  }
0x81: {  	_ =	shalt  }
0x82: {  	_ =	shalt  }
0x83: {  	_ =	shalt  }
0x84: {  	_ =	shalt  }
0x85: {  	_ =	shalt  }
0x86: {  	_ =	shalt  }
0x87: {  	_ =	shalt  }
.Lfunc_end0:
.L_simem_size_0:
called_computation.1_lowered:
.L_overlay_start_0:
0x88: {  	s2 =	sld [smem:$0x3FD9]  }
0x89: {  	s3 =	sld [smem:$0x3FFE];
	_ =	sdelay $0x1  }
0x8a: {  	s1 =	srdreg.scid  }
0x8b: {  	s0 =	sand.u32 $0x1, s1  }
0x8c: {  	s17 =	sshll.u32 s0, $0xA;
	s2 =	sadd.s32 s3, s2  }
0x8d: {  	s2 =	sadd.s32 s2, s17  }
0x8e: {  	[smem:$0x3FC0] =	sst s2  }
0x8f: {  	_ = 	snop  }
0x90: {  	s2 =	sld [smem:$0x3FD0];
	(tm) =	ssettm $0x1  }
0x91: {  	s18 =	sld [smem:$0x3FFB];
	_ =	sdelay $0x3  }
0x92: {  	_ =	strace s18  }
0x93: {  	s3 =	sld [smem:$0x3FFC];
	_ =	sdelay $0x3  }
0x94: {  	_ =	strace s3  }
0x95: {  	s3 =	sld [smem:$0x3FFD];
	_ =	sdelay $0x3  }
0x96: {  	_ =	strace s3  }
0x97: {  	_ =	strace $0x8FFFFFFF  }
0x98: {  	s19 =	sld [smem:$0x3FDB];
	_ =	sdelay $0x1  }
0x99: {  	s4 =	simm.s32 $_scs_section_size  }
0x9a: {  	s5 =	simm.s32 $_size__tile_overlayer_lowered;
	s6 =	simm.s32 $_tile_overlayer_lowered  }
0x9b: {  	s22 =	simm.s32 $0x1BFF;
	s21 =	sshll.u32 s6, $0x1;
	s3 =	sadd.s32 s4, s19  }
0x9c: {  	s7 =	simm.s32 $0x0;
	s20 =	sshll.u32 s5, $0x1;
	s5 =	sadd.s32 s21, s3  }
0x9d: {  	[timem:s7], [sflag:s22] =	dma.local [hbm:s5], s20  }
0x9e: {  	_ =	swait.ge [sflag:s22], s20  }
0x9f: {  	s4 =	ssub.s32 $0x0, s20;
	[sflag:s22] =	ssyncset.done $0x0  }
0xa0: {  	[sflag:s22] =	ssyncadd.s32 s4;
	_ =	sdelay $0x1  }
0xa1: {  	s23 =	simm.s32 $0x1B8B  }
0xa2: {  	_ =	swait.ge [sflag:s23], $0x1  }
0xa3: {  	[sflag:s23] =	ssyncset.done $0x0  }
0xa4: {  	s25 =	simm.s32 $0x1B8E;
	s24 =	sld [smem:$0x3FFE];
	[sflag:s23] =	ssyncadd.s32 $0xFFFFFFFF  }
0xa5: {  	s26 =	simm.s32 $execute0_lowered;
	[smem:$0x3FD2] =	sst s25  }
0xa6: {  	s5 =	sshll.u32 s26, $0x1;
	_ =	strace $0x80000049;
	[dreg:$0x1] =	wrdreg $0xFFFFFFFF  }
0xa7: {  	s28 =	simm.s32 $_size_execute0_lowered;
	s3 =	sadd.s32 s3, s5;
	[dreg:$0x0] =	wrdreg $0x0  }
0xa8: {  	s5 =	sshll.u32 s28, $0x1;
	[dreg:$0x2] =	wrdreg s3  }
0xa9: {  	[dreg:$0x3] =	wrdreg s5  }
0xaa: {  	[dreg:$0x4] =	wrdreg $0xC0  }
0xab: {  	_ =	task [dreg:s7], $0x5FFFF  }
0xac: {  	[dreg:$0x1] =	wrdreg $0xFFFFFFFF  }
0xad: {  	[dreg:$0x0] =	wrdreg $0x60  }
0xae: {  	[dreg:$0x2] =	wrdreg s24  }
0xaf: {  	[dreg:$0x3] =	wrdreg s2  }
0xb0: {  	[dreg:$0x4] =	wrdreg $0xA9800  }
0xb1: {  	[dreg:$0x5] =	wrdreg $0x9  }
0xb2: {  	_ =	task.clear_ibuf [dreg:s7], $0x6FFFF;
	_ =	strace $0x90000049  }
0xb3: {  	s29 =	simm.s32 $0x9;
	_ =	strace $0x8000004B  }
0xb4: {  	_ =	swait.ge [sflag:s29], $0x1  }
0xb5: {  	[sflag:s29] =	ssyncadd.s32 $0xFFFFFFFF  }
0xb6: {  	_ =	strace $0x9000004B  }
0xb7: {  	_ =	sfence  }
0xb8: {  	s30 =	sld [smem:$0x0];
	_ =	sdelay $0x2  }
0xb9: {  	s31 =	sshll.u32 s1, $0xD;
	s1 =	sshrl.u32 s1, $0x2  }
0xba: {  	s3 =	sand.u32 $0x4000, s31;
	s1 =	sadd.s32 s1, s30  }
0xbb: {  	s0 =	sor.u32 s3, s0;
	s1 =	sshll.u32 s1, $0x11  }
0xbc: {  	s0 =	sor.u32 s1, s0  }
0xbd: {  	s0 =	sadd.s32 $0x8F2B, s0  }
0xbe: {  	[sflag:s0] =	ssyncadd.remote.s32 $0x1  }
0xbf: {  	_ =	sfence.sel $0xFFFF  }
0xc0: {  	[dreg:$0x0] =	wrdreg $0xFFFFFFFF;
	(pc) =	sbr.abs _section_cstart, $3  }
0xc1: {  	[dreg:$0x1] =	wrdreg $0xFFFFFFFF  }
0xc2: {  	_ =	task.clear_ibuf [dreg:s7], $0x2FFFF;
	_ =	strace $0x9FFFFFFF  }
0xc3: {  	(tm) =	ssettm $0x7FFFFFFF  }
tec
execute0_lowered:
.L_overlay_start_1:
0x0: {  	(tag) =	ssettag $0x1  }
0x1: {  	s0 =	rddreg [dreg:$0x0]  }
0x2: {  	s3 =	rddreg [dreg:$0x1]  }
0x3: {  	s1 =	rddreg [dreg:$0x2];
	s2 =	simm.s32 $0x0  }
0x4: {  	s5 =	srdreg.scid;
	s21 =	stileid.u32;
	s28 =	simm.s32 $0x80  }
0x5: {  	s29 =	simm.s32 $0x1;
	s30 =	simm.s32 $0x3;
	s31 =	simm.s32 $0x2900  }
0x6: {  	[smem:$0x7FF] =	sst s2;
	s4 =	sadd.s32 $0xC800, s0;
	s5 =	sand.u32 $0x1, s5  }
0x7: {  	s11 =	sadd.s32 $0x2600, s0;
	s7 =	smul.u32 $0x50000, s21;
	s8 =	sadd.s32 $0x35000, s0  }
0x8: {  	s12 =	smul.u32 $0x14000, s21;
	s0 =	sadd.s32 $0x35800, s0;
	_ =	strace $0x8000004A  }
0x9: {  	s6 =	ssub.s32 $0x2, s5;
	[dreg:$0x4] =	wrdreg s8;
	s19 =	smul.u32 $0x140000, s5  }
0xa: {  	s22 =	sshll.u32 s5, $0x4;
	s5 =	smul.u32 $0x28000, s5;
	s20 =	sshrl.u32 s6, $0x1  }
0xb: {  	s23 =	sor.u32 s21, s22;
	s24 =	sshrl.u32 s7, $0x2;
	s14 =	sadd.s32 $0x4000, s12  }
0xc: {  	s16 =	sadd.s32 $0x8000, s12;
	s18 =	sadd.s32 $0xC000, s12;
	s15 =	smul.u32 $0x2800, s23  }
0xd: {  	s13 =	ssub.s32 s6, s20;
	s6 =	sadd.s32 s24, s1;
	s7 =	sadd.s32 s14, s1  }
0xe: {  	s8 =	sadd.s32 s16, s1;
	s20 =	sadd.s32 $0x10000, s12;
	s15 =	sshrl.u32 s15, $0x3  }
0xf: {  	s17 =	sadd.s32 s12, s19;
	s3 =	sadd.s32 s3, s15;
	s12 =	sadd.s32 s11, s15  }
0x10: {  	s9 =	sadd.s32 s18, s1;
	[dreg:$0x5] =	wrdreg s3;
	s15 =	sadd.s32 $0x10, s12  }
0x11: {  	s25 =	sshrl.u32 s17, $0x3;
	s26 =	sadd.s32 $0x20, s12;
	[dreg:$0x6] =	wrdreg s15  }
0x12: {  	s14 =	sadd.s32 s19, s14;
	s3 =	sadd.s32 s0, s25;
	[dreg:$0x7] =	wrdreg s26  }
0x13: {  	s18 =	sadd.s32 s19, s18;
	s10 =	sadd.s32 s20, s1;
	[dreg:$0x8] =	wrdreg s3  }
0x14: {  	s15 =	sadd.s32 s19, s16;
	s3 =	sshrl.u32 s14, $0x3;
	s16 =	smul.u32 $0x2800, s21  }
0x15: {  	s21 =	sadd.s32 s19, s20;
	s20 =	smax.u32 s13, $0x1;
	s13 =	simm.s32 $0x0  }
0x16: {  	s14 =	sshrl.u32 s15, $0x3;
	s3 =	sadd.s32 s0, s3;
	s22 =	sshrl.u32 s21, $0x3  }
0x17: {  	[dreg:$0x9] =	wrdreg s3;
	s17 =	sadd.s32 s0, s14;
	s3 =	sshrl.u32 s18, $0x3  }
0x18: {  	s5 =	sadd.s32 s16, s5;
	s19 =	sadd.s32 s0, s22;
	[dreg:$0xa] =	wrdreg s17  }
0x19: {  	s18 =	sadd.s32 s0, s3;
	s23 =	sor.u32 $0x200, s5;
	s25 =	sor.u32 $0x180, s5  }
0x1a: {  	s0 =	simm.s32 $0x6980;
	s3 =	simm.s32 $0x2;
	s5 =	simm.s32 $0x4  }
0x1b: {  	s24 =	sshrl.u32 s23, $0x3;
	s26 =	sshrl.u32 s25, $0x3;
	s23 =	simm.s32 $0x2980  }
0x1c: {  	s25 =	simm.s32 $0x5;
	s21 =	sadd.s32 s24, s11;
	s22 =	sadd.s32 s26, s11  }
0x1d: {  	s24 =	simm.s32 $0x7;
	s26 =	simm.s32 $0x2880;
	s11 =	simm.s32 $0x6  }
.LBB2_1:
0x1e: {  	s14 =	rddreg [dreg:$0x4]  }
0x1f: {  	[tilespmem:s23], [sflag:$0x7] =	stream.linear.gather [hbm4b:s14+s2], $0x4000, $0x38;
	[tilespmem:$0x1E980] =	vst v63  }
0x20: {  	_ =	swait.ge [sflag:s24], $0x4000  }
0x21: {  	[sflag:s24] =	ssyncset.done $0x0  }
0x22: {  	[sflag:s24] =	ssyncadd.s32 $0xFFFFC000  }
0x23: {  	[spmem:s6] =	stream.linear.scatter [tilespmem:s23], [sflag:$0x5], $0x4000, $0x38;
	[tilespmem:$0x1E980] =	vst v63  }
0x24: {  	_ = 	snop  }
0x25: {  	[spmem:s7] =	stream.linear.scatter [tilespmem:s23], [sflag:$0x5], $0x4000, $0x38;
	[tilespmem:$0x1E980] =	vst v63  }
0x26: {  	_ = 	snop  }
0x27: {  	[spmem:s8] =	stream.linear.scatter [tilespmem:s23], [sflag:$0x5], $0x4000, $0x38;
	[tilespmem:$0x1E980] =	vst v63  }
0x28: {  	_ = 	snop  }
0x29: {  	[spmem:s9] =	stream.linear.scatter [tilespmem:s23], [sflag:$0x5], $0x4000, $0x38;
	[tilespmem:$0x1E980] =	vst v63  }
0x2a: {  	_ = 	snop  }
0x2b: {  	[spmem:s10] =	stream.linear.scatter [tilespmem:s23], [sflag:$0x5], $0x4000, $0x38;
	[tilespmem:$0x1E980] =	vst v63  }
0x2c: {  	_ =	swait.ge [sflag:s25], $0x4000  }
0x2d: {  	[sflag:s25] =	ssyncset.done $0x0  }
0x2e: {  	[sflag:s25] =	ssyncadd.s32 $0xFFFFC000  }
0x2f: {  	_ =	swait.ge [sflag:s25], $0x4000  }
0x30: {  	[sflag:s25] =	ssyncset.done $0x0  }
0x31: {  	[sflag:s25] =	ssyncadd.s32 $0xFFFFC000  }
0x32: {  	_ =	swait.ge [sflag:s25], $0x4000  }
0x33: {  	[sflag:s25] =	ssyncset.done $0x0  }
0x34: {  	[sflag:s25] =	ssyncadd.s32 $0xFFFFC000  }
0x35: {  	_ =	swait.ge [sflag:s25], $0x4000  }
0x36: {  	[sflag:s25] =	ssyncset.done $0x0  }
0x37: {  	[sflag:s25] =	ssyncadd.s32 $0xFFFFC000  }
0x38: {  	_ =	swait.ge [sflag:s25], $0x4000  }
0x39: {  	[sflag:s25] =	ssyncset.done $0x0  }
0x3a: {  	[sflag:s25] =	ssyncadd.s32 $0xFFFFC000  }
0x3b: {  	[bflag:$0x0] =	sbarrier.arrive $0xFFFF  }
0x3c: {  	s16 =	rddreg [dreg:$0x5]  }
0x3d: {  	[tilespmem:s2], [sflag:$0x7] =	stream.linear.gather [hbm4b:s16+s2], $0x2880, $0x38;
	[tilespmem:$0x1E980] =	vst v63  }
0x3e: {  	_ =	swait.ge [sflag:s24], $0x2880  }
0x3f: {  	[sflag:s24] =	ssyncset.done $0x0  }
0x40: {  	[sflag:s24] =	ssyncadd.s32 $0xFFFFD780  }
0x41: {  	[tilespmem:s26], [sflag:$0x1] =	stream.linear.gather [hbm4b:s12+s2], $0x80, $0x38;
	[tilespmem:$0x1E980] =	vst v63  }
0x42: {  	_ = 	snop  }
0x43: {  	[tilespmem:s23], [sflag:$0x3] =	stream.indirect.gather [hbm4b:s4+s28], $0x80, s2, s28, $0xb8;
	[tilespmem:$0x1E980] =	vst v63  }
0x44: {  	_ =	swait.ge [sflag:s29], $0x80  }
0x45: {  	[sflag:s29] =	ssyncset.done $0x0  }
0x46: {  	[sflag:s29] =	ssyncadd.s32 $0xFFFFFF80  }
0x47: {  	_ =	swait.ge [sflag:s30], $0x4000  }
0x48: {  	[sflag:s30] =	ssyncset.done $0x0  }
0x49: {  	s17 =	rddreg [dreg:$0x6];
	[sflag:s30] =	ssyncadd.s32 $0xFFFFC000  }
0x4a: {  	[tilespmem:s31], [sflag:$0x2] =	stream.linear.gather [hbm4b:s17+s2], $0x80, $0x38;
	[tilespmem:$0x1E980] =	vst v63  }
0x4b: {  	_ = 	snop  }
0x4c: {  	[tilespmem:s0], [sflag:$0x4] =	stream.indirect.gather [hbm4b:s4+s28], $0x80, s28, s28, $0xb8;
	[tilespmem:$0x1E980] =	vst v63  }
0x4d: {  	_ = 	snop  }
0x4e: {  	[spmem:s1] =	stream.indirect.scatter.add.f32 [tilespmem:s23], [sflag:$0x5], $0x80, s26, s28, $0xb8;
	[tilespmem:$0x1E980] =	vst v63  }
0x4f: {  	_ =	swait.ge [sflag:s3], $0x80  }
0x50: {  	[sflag:s3] =	ssyncset.done $0x0  }
0x51: {  	[sflag:s3] =	ssyncadd.s32 $0xFFFFFF80  }
0x52: {  	_ =	swait.ge [sflag:s5], $0x4000  }
0x53: {  	[sflag:s5] =	ssyncset.done $0x0  }
0x54: {  	[sflag:s5] =	ssyncadd.s32 $0xFFFFC000  }
0x55: {  	_ =	swait.ge [sflag:s25], $0x4000  }
0x56: {  	[sflag:s25] =	ssyncset.done $0x0  }
0x57: {  	s15 =	rddreg [dreg:$0x7];
	[sflag:s25] =	ssyncadd.s32 $0xFFFFC000  }
0x58: {  	[tilespmem:s26], [sflag:$0x1] =	stream.linear.gather [hbm4b:s15+s2], $0x80, $0x38;
	[tilespmem:$0x1E980] =	vst v63  }
0x59: {  	s16 =	simm.s32 $0x100  }
0x5a: {  	[tilespmem:s23], [sflag:$0x3] =	stream.indirect.gather [hbm4b:s4+s28], $0x80, s16, s28, $0xb8;
	[tilespmem:$0x1E980] =	vst v63  }
0x5b: {  	_ = 	snop  }
0x5c: {  	[spmem:s1] =	stream.indirect.scatter.add.f32 [tilespmem:s0], [sflag:$0x6], $0x80, s31, s28, $0xb8;
	[tilespmem:$0x1E980] =	vst v63  }
0x5d: {  	_ =	swait.ge [sflag:s29], $0x80  }
0x5e: {  	[sflag:s29] =	ssyncset.done $0x0  }
0x5f: {  	[sflag:s29] =	ssyncadd.s32 $0xFFFFFF80  }
0x60: {  	_ =	swait.ge [sflag:s30], $0x4000  }
0x61: {  	[sflag:s30] =	ssyncset.done $0x0  }
0x62: {  	[sflag:s30] =	ssyncadd.s32 $0xFFFFC000  }
0x63: {  	[spmem:s1] =	stream.indirect.scatter.add.f32 [tilespmem:s23], [sflag:$0x5], $0x80, s26, s28, $0xb8;
	[tilespmem:$0x1E980] =	vst v63  }
0x64: {  	_ =	swait.ge [sflag:s11], $0x4000  }
0x65: {  	[sflag:s11] =	ssyncset.done $0x0  }
0x66: {  	s17 =	sadd.s32 $0x0, s22;
	[sflag:s11] =	ssyncadd.s32 $0xFFFFC000  }
0x67: {  	[tilespmem:s31], [sflag:$0x2] =	stream.linear.gather [hbm4b:s17+s2], $0x80, $0x38;
	[tilespmem:$0x1E980] =	vst v63  }
0x68: {  	s15 =	simm.s32 $0x180  }
0x69: {  	[tilespmem:s0], [sflag:$0x4] =	stream.indirect.gather [hbm4b:s4+s28], $0x80, s15, s28, $0xb8;
	[tilespmem:$0x1E980] =	vst v63  }
0x6a: {  	_ =	swait.ge [sflag:s3], $0x80  }
0x6b: {  	[sflag:s3] =	ssyncset.done $0x0  }
0x6c: {  	[sflag:s3] =	ssyncadd.s32 $0xFFFFFF80  }
0x6d: {  	_ =	swait.ge [sflag:s5], $0x4000  }
0x6e: {  	[sflag:s5] =	ssyncset.done $0x0  }
0x6f: {  	[sflag:s5] =	ssyncadd.s32 $0xFFFFC000  }
0x70: {  	_ =	swait.ge [sflag:s25], $0x4000  }
0x71: {  	[sflag:s25] =	ssyncset.done $0x0  }
0x72: {  	s16 =	sadd.s32 $0x0, s21;
	[sflag:s25] =	ssyncadd.s32 $0xFFFFC000  }
0x73: {  	[tilespmem:s26], [sflag:$0x1] =	stream.linear.gather [hbm4b:s16+s2], $0x80, $0x38;
	[tilespmem:$0x1E980] =	vst v63  }
0x74: {  	s14 =	simm.s32 $0x20;
	s17 =	simm.s32 $0x200;
	s15 =	simm.s32 $0x300  }
0x75: {  	[tilespmem:s23], [sflag:$0x3] =	stream.indirect.gather [hbm4b:s4+s28], $0x80, s17, s28, $0xb8;
	[tilespmem:$0x1E980] =	vst v63  }
.LBB2_2:
0x76: {  	[spmem:s1] =	stream.indirect.scatter.add.f32 [tilespmem:s0], [sflag:$0x6], $0x80, s31, s28, $0xb8;
	[tilespmem:$0x1E980] =	vst v63  }
0x77: {  	s16 =	smov.u32 s14  }
0x78: {  	p0 =	sne.s32 s14, $0x4C0;
	s14 =	sadd.s32 $0x20, s14;
	_ =	swait.ge [sflag:s29], $0x80  }
0x79: {  	[sflag:s29] =	ssyncset.done $0x0  }
0x7a: {  	[sflag:s29] =	ssyncadd.s32 $0xFFFFFF80  }
0x7b: {  	_ =	swait.ge [sflag:s30], $0x4000  }
0x7c: {  	[sflag:s30] =	ssyncset.done $0x0  }
0x7d: {  	[sflag:s30] =	ssyncadd.s32 $0xFFFFC000  }
0x7e: {  	[spmem:s1] =	stream.indirect.scatter.add.f32 [tilespmem:s23], [sflag:$0x5], $0x80, s26, s28, $0xb8;
	[tilespmem:$0x1E980] =	vst v63  }
0x7f: {  	_ =	swait.ge [sflag:s11], $0x4000  }
0x80: {  	[sflag:s11] =	ssyncset.done $0x0  }
0x81: {  	s17 =	sadd.s32 s16, s22;
	[sflag:s11] =	ssyncadd.s32 $0xFFFFC000  }
0x82: {  	[tilespmem:s31], [sflag:$0x2] =	stream.linear.gather [hbm4b:s17+s2], $0x80, $0x38;
	[tilespmem:$0x1E980] =	vst v63  }
0x83: {  	s17 =	sadd.s32 $0xFFFFFF80, s15  }
0x84: {  	[tilespmem:s0], [sflag:$0x4] =	stream.indirect.gather [hbm4b:s4+s28], $0x80, s17, s28, $0xb8;
	[tilespmem:$0x1E980] =	vst v63  }
0x85: {  	_ =	swait.ge [sflag:s3], $0x80  }
0x86: {  	[sflag:s3] =	ssyncset.done $0x0  }
0x87: {  	[sflag:s3] =	ssyncadd.s32 $0xFFFFFF80  }
0x88: {  	_ =	swait.ge [sflag:s5], $0x4000  }
0x89: {  	[sflag:s5] =	ssyncset.done $0x0  }
0x8a: {  	[sflag:s5] =	ssyncadd.s32 $0xFFFFC000  }
0x8b: {  	_ =	swait.ge [sflag:s25], $0x4000  }
0x8c: {  	[sflag:s25] =	ssyncset.done $0x0  }
.Ltmp0:
0x8d: {  	s16 =	sadd.s32 s16, s21;
	[sflag:s25] =	ssyncadd.s32 $0xFFFFC000;
	(pc) =	sbr.rel @p0 .LBB2_2-.Ltmp0, $4  }
0x8e: {  	[tilespmem:s26], [sflag:$0x1] =	stream.linear.gather [hbm4b:s16+s2], $0x80, $0x38;
	[tilespmem:$0x1E980] =	vst v63  }
0x8f: {  	_ = 	snop  }
0x90: {  	[tilespmem:s23], [sflag:$0x3] =	stream.indirect.gather [hbm4b:s4+s28], $0x80, s15, s28, $0xb8;
	[tilespmem:$0x1E980] =	vst v63  }
0x91: {  	s15 =	sadd.s32 $0x100, s15  }
0x92: {  	[spmem:s1] =	stream.indirect.scatter.add.f32 [tilespmem:s0], [sflag:$0x6], $0x80, s31, s28, $0xb8;
	[tilespmem:$0x1E980] =	vst v63  }
0x93: {  	_ =	swait.ge [sflag:s29], $0x80  }
0x94: {  	[sflag:s29] =	ssyncset.done $0x0  }
0x95: {  	[sflag:s29] =	ssyncadd.s32 $0xFFFFFF80  }
0x96: {  	_ =	swait.ge [sflag:s30], $0x4000  }
0x97: {  	[sflag:s30] =	ssyncset.done $0x0  }
0x98: {  	[sflag:s30] =	ssyncadd.s32 $0xFFFFC000  }
0x99: {  	_ =	swait.ge [sflag:s11], $0x4000  }
0x9a: {  	[sflag:s11] =	ssyncset.done $0x0  }
0x9b: {  	[sflag:s11] =	ssyncadd.s32 $0xFFFFC000  }
0x9c: {  	[bflag:$0x0] =	sbarrier.arrive $0xFFFF  }
0x9d: {  	[tilespmem:s23], [sflag:$0x3] =	stream.linear.gather [spmem:s6], $0x4000, $0x38;
	[tilespmem:$0x1E980] =	vst v63  }
0x9e: {  	_ =	swait.ge [sflag:s30], $0x4000  }
0x9f: {  	[sflag:s30] =	ssyncset.done $0x0  }
0xa0: {  	s14 =	rddreg [dreg:$0x8];
	[sflag:s30] =	ssyncadd.s32 $0xFFFFC000  }
0xa1: {  	[hbm4b:s14+s2] =	stream.linear.scatter [tilespmem:s23], [sflag:$0x5], $0x4000, $0x38;
	[tilespmem:$0x1E980] =	vst v63  }
0xa2: {  	_ = 	snop  }
0xa3: {  	[tilespmem:s0], [sflag:$0x4] =	stream.linear.gather [spmem:s7], $0x4000, $0x38;
	[tilespmem:$0x1E980] =	vst v63  }
0xa4: {  	_ =	swait.ge [sflag:s5], $0x4000  }
0xa5: {  	[sflag:s5] =	ssyncset.done $0x0  }
0xa6: {  	s16 =	rddreg [dreg:$0x9];
	[sflag:s5] =	ssyncadd.s32 $0xFFFFC000  }
0xa7: {  	[hbm4b:s16+s2] =	stream.linear.scatter [tilespmem:s0], [sflag:$0x6], $0x4000, $0x38;
	[tilespmem:$0x1E980] =	vst v63  }
0xa8: {  	_ =	swait.ge [sflag:s25], $0x4000  }
0xa9: {  	[sflag:s25] =	ssyncset.done $0x0  }
0xaa: {  	[sflag:s25] =	ssyncadd.s32 $0xFFFFC000  }
0xab: {  	[tilespmem:s23], [sflag:$0x3] =	stream.linear.gather [spmem:s8], $0x4000, $0x38;
	[tilespmem:$0x1E980] =	vst v63  }
0xac: {  	_ =	swait.ge [sflag:s30], $0x4000  }
0xad: {  	[sflag:s30] =	ssyncset.done $0x0  }
0xae: {  	s17 =	rddreg [dreg:$0xa];
	[sflag:s30] =	ssyncadd.s32 $0xFFFFC000  }
0xaf: {  	[hbm4b:s17+s2] =	stream.linear.scatter [tilespmem:s23], [sflag:$0x5], $0x4000, $0x38;
	[tilespmem:$0x1E980] =	vst v63  }
0xb0: {  	_ =	swait.ge [sflag:s11], $0x4000  }
0xb1: {  	[sflag:s11] =	ssyncset.done $0x0  }
0xb2: {  	[sflag:s11] =	ssyncadd.s32 $0xFFFFC000  }
0xb3: {  	[tilespmem:s0], [sflag:$0x4] =	stream.linear.gather [spmem:s9], $0x4000, $0x38;
	[tilespmem:$0x1E980] =	vst v63  }
0xb4: {  	_ =	swait.ge [sflag:s5], $0x4000  }
0xb5: {  	[sflag:s5] =	ssyncset.done $0x0  }
0xb6: {  	[sflag:s5] =	ssyncadd.s32 $0xFFFFC000  }
0xb7: {  	[hbm4b:s18+s2] =	stream.linear.scatter [tilespmem:s0], [sflag:$0x6], $0x4000, $0x38;
	[tilespmem:$0x1E980] =	vst v63  }
0xb8: {  	_ =	swait.ge [sflag:s25], $0x4000  }
0xb9: {  	[sflag:s25] =	ssyncset.done $0x0  }
0xba: {  	[sflag:s25] =	ssyncadd.s32 $0xFFFFC000  }
0xbb: {  	[tilespmem:s23], [sflag:$0x3] =	stream.linear.gather [spmem:s10], $0x4000, $0x38;
	[tilespmem:$0x1E980] =	vst v63  }
0xbc: {  	_ =	swait.ge [sflag:s30], $0x4000  }
0xbd: {  	[sflag:s30] =	ssyncset.done $0x0  }
0xbe: {  	s13 =	sadd.s32 $0x1, s13;
	[sflag:s30] =	ssyncadd.s32 $0xFFFFC000  }
0xbf: {  	[hbm4b:s19+s2] =	stream.linear.scatter [tilespmem:s23], [sflag:$0x5], $0x4000, $0x38;
	[tilespmem:$0x1E980] =	vst v63  }
0xc0: {  	p0 =	sne.s32 s13, s20;
	_ =	swait.ge [sflag:s25], $0x4000  }
.Ltmp1:
0xc1: {  	[sflag:s25] =	ssyncset.done $0x0;
	(pc) =	sbr.rel @p0 .LBB2_1-.Ltmp1, $4  }
0xc2: {  	[sflag:s25] =	ssyncadd.s32 $0xFFFFC000  }
0xc3: {  	_ =	swait.ge [sflag:s11], $0x4000  }
0xc4: {  	[sflag:s11] =	ssyncset.done $0x0  }
0xc5: {  	[sflag:s11] =	ssyncadd.s32 $0xFFFFC000  }
0xc6: {  	_ =	sfence.sel $0x180000  }
0xc7: {  	[bflag:$0x0] =	sbarrier.arrive $0xFFFF  }
0xc8: {  	_ =	strace $0x9000004A  }
0xc9: {  	s0 =	stileid.u32;
	[bflag:$0x2] =	sbarrier.arrive $0xFFFF  }
0xca: {  	p0 =	sne.s32 s0, $0x0;
	s0 =	rddreg [dreg:$0x3]  }
0xcb: {  	s0 =	sadd.s32 @!p0 $0x100000, s0  }
0xcc: {  	[sflag:s0] =	ssyncadd.tile.s32 @!p0 $0x1;
	_ =	shalt  }
.Lfunc_end2:
_tile_overlayer_lowered:
.L_overlay_start_2:
0xcd: {  	(tag) =	ssettag $0x2  }
0xce: {  	s0 =	rddreg [dreg:$0x0];
	s2 =	stileid.u32  }
0xcf: {  	s1 =	rddreg [dreg:$0x1];
	p0 =	sne.s32 s2, $0x0  }
0xd0: {  	s3 =	rddreg [dreg:$0x2];
	[bflag:$0x3] =	sbarrier.arrive $0xFFFF;
	s2 =	simm.s32 @!p0 $0x1C07  }
0xd1: {  	[timem:s3], [sflag:s2] =	dma.local @!p0 [hbm:s0], s1  }
0xd2: {  	s0 =	simm.s32 @!p0 $0x7  }
0xd3: {  	_ =	swait.ge @!p0 [sflag:s0], s1  }
0xd4: {  	s1 =	ssub.s32 @!p0 $0x0, s1;
	[sflag:s0] =	ssyncset.done @!p0 $0x0  }
0xd5: {  	[sflag:s0] =	ssyncadd.s32 @!p0 s1  }
0xd6: {  	[bflag:$0x3] =	sbarrier.arrive $0xFFFF  }
0xd7: {  	_ =	shalt  }

</sc_bundles>
